<compile_context>
chip_gen: v7x
topology: tpu7x:2x2x1
jax: 0.10.2.dev20260603
libtpu: 0.0.44.dev20260713+nightly
codegen_flags: <defaults>
</compile_context>

<pallas_src>
import jax
import jax.numpy as jnp
from jax import lax
from jax.experimental import pallas as pl
from jax.experimental.pallas import tpu as pltpu
from jax.experimental.pallas import tpu_sc as plsc

N_USERS = 100000
N_ITEMS = 900000
EMB = 32
REGS = 1e-5
B = 16384

NC = 2
NS = 16
NW = NC * NS
PB = B // NW
CHUNK = 128
NCH = PB // CHUNK


def _sc_body(table_hbm, u_idx_hbm, p_idx_hbm, n_idx_hbm,
             pd_hbm, sq_hbm,
             u_idx_v, p_idx_v, n_idx_v,
             u_rows, p_rows, n_rows,
             pd_v, sq_v, sem):
    wid = lax.axis_index("s") * NC + lax.axis_index("c")

    pltpu.sync_copy(u_idx_hbm.at[wid], u_idx_v)
    pltpu.sync_copy(p_idx_hbm.at[wid], p_idx_v)
    pltpu.sync_copy(n_idx_hbm.at[wid], n_idx_v)

    copies = []
    for idx_v, rows in ((u_idx_v, u_rows), (p_idx_v, p_rows), (n_idx_v, n_rows)):
        for j in range(NCH):
            copies.append(pltpu.async_copy(
                table_hbm.at[idx_v.at[j]],
                rows.at[pl.ds(j * CHUNK, CHUNK)],
                sem))
    for c in copies:
        c.wait()

    def body(i, sq):
        u0 = u_rows[i, pl.ds(0, 16)]
        u1 = u_rows[i, pl.ds(16, 16)]
        p0 = p_rows[i, pl.ds(0, 16)]
        p1 = p_rows[i, pl.ds(16, 16)]
        n0 = n_rows[i, pl.ds(0, 16)]
        n1 = n_rows[i, pl.ds(16, 16)]
        pd_v[i, :] = u0 * (p0 - n0) + u1 * (p1 - n1)
        return (sq + u0 * u0 + u1 * u1 + p0 * p0 + p1 * p1
                + n0 * n0 + n1 * n1)

    sq = lax.fori_loop(0, PB, body, jnp.zeros((16,), jnp.float32))
    sq_v[...] = sq

    pltpu.sync_copy(pd_v, pd_hbm.at[wid])
    pltpu.sync_copy(sq_v, sq_hbm.at[wid])


def _sc_call(table, u_idx, p_idx, n_idx):
    mesh = plsc.VectorSubcoreMesh(core_axis_name="c", subcore_axis_name="s")
    return pl.kernel(
        _sc_body,
        out_type=(
            jax.ShapeDtypeStruct((NW, PB, 16), jnp.float32),
            jax.ShapeDtypeStruct((NW, 16), jnp.float32),
        ),
        mesh=mesh,
        compiler_params=pltpu.CompilerParams(use_tc_tiling_on_sc=False),
        scratch_types=[
            pltpu.VMEM((NCH, CHUNK), jnp.int32),
            pltpu.VMEM((NCH, CHUNK), jnp.int32),
            pltpu.VMEM((NCH, CHUNK), jnp.int32),
            pltpu.VMEM((PB, EMB), jnp.float32),
            pltpu.VMEM((PB, EMB), jnp.float32),
            pltpu.VMEM((PB, EMB), jnp.float32),
            pltpu.VMEM((PB, 16), jnp.float32),
            pltpu.VMEM((16,), jnp.float32),
            pltpu.SemaphoreType.DMA,
        ],
    )(table, u_idx, p_idx, n_idx)


def _tc_epilogue_body(pd_ref, sq_ref, bpr_ref, reg_ref):
    d = jnp.sum(pd_ref[...], axis=1, keepdims=True)
    logsig = -jnp.log1p(jnp.exp(-d))
    bpr_ref[...] = jnp.full((1, 1), -jnp.mean(logsig), jnp.float32)
    reg_ref[...] = jnp.full((1, 1), REGS * 0.5 * jnp.sum(sq_ref[...]),
                            jnp.float32)


def _tc_epilogue(pd, sq):
    return pl.pallas_call(
        _tc_epilogue_body,
        out_shape=(
            jax.ShapeDtypeStruct((1, 1), jnp.float32),
            jax.ShapeDtypeStruct((1, 1), jnp.float32),
        ),
    )(pd, sq)


@jax.jit
def kernel(user, pos_item, neg_item, table):
    u_idx = user.reshape(NW, NCH, CHUNK)
    p_idx = pos_item.reshape(NW, NCH, CHUNK)
    n_idx = neg_item.reshape(NW, NCH, CHUNK)
    pd, sq = _sc_call(table, u_idx, p_idx, n_idx)
    bpr, reg = _tc_epilogue(pd.reshape(B, 16), sq)
    return (bpr.reshape(()), reg.reshape(()))

# --- scband reference (transcript-rebuilt; emitter-appended) ---
"""Pipeline reference for scband-mf-21646635172721 (READ-ONLY COPY).

The authoritative reference and input builder live on the scoring server;
editing this copy changes nothing except your own understanding.
"""

import jax, jax.numpy as jnp
import numpy as np

N_USERS = 100000
N_ITEMS = 900000
EMB = 32
REGS = 1e-5
TABLE_ROWS = N_USERS + N_ITEMS + 1  # last row is padding_idx, filled with -1
B = 16384


def setup_inputs(seed: int = 0) -> dict:
    key = jax.random.key(seed)
    k1, k2, k3, k4 = jax.random.split(key, 4)
    user = jax.random.randint(k1, (B,), 0, N_USERS, dtype=jnp.int32)
    pos_item = jax.random.randint(k2, (B,), 0, N_USERS + N_ITEMS, dtype=jnp.int32)
    neg_item = jax.random.randint(k3, (B,), 0, N_USERS + N_ITEMS, dtype=jnp.int32)
    # xavier-uniform-ish init for the embedding table
    limit = float(np.sqrt(6.0 / (TABLE_ROWS + EMB)))
    table = jax.random.uniform(k4, (TABLE_ROWS, EMB), dtype=jnp.float32, minval=-limit, maxval=limit)
    table = table.at[TABLE_ROWS - 1].set(-1.0)  # padding row filled with -1
    return {"user": user, "pos_item": pos_item, "neg_item": neg_item, "table": table}


def _l2_loss(t):
    return jnp.sum(t ** 2) / 2.0


def reference(user, pos_item, neg_item, table):
    u_e = jnp.take(table, user, axis=0)
    pos_e = jnp.take(table, pos_item, axis=0)
    neg_e = jnp.take(table, neg_item, axis=0)
    reg_loss = REGS * (_l2_loss(u_e) + _l2_loss(pos_e) + _l2_loss(neg_e))
    pos_scores = jnp.sum(u_e * pos_e, axis=1)
    neg_scores = jnp.sum(u_e * neg_e, axis=1)
    bpr_loss = jnp.log(jax.nn.sigmoid(pos_scores - neg_scores))
    bpr_loss = -jnp.mean(bpr_loss)
    return (bpr_loss, reg_loss)

if __name__ == "__main__":
    import jax
    _d = setup_inputs()
    print(jax.jit(kernel)(*tuple(_d.values())))

</pallas_src>

<mosaic_0001>
#map = affine_map<(d0, d1) -> (0, 0)>
#map1 = affine_map<(d0, d1) -> (0, 0, 0)>
module attributes {stable_mosaic.version = 14 : i64} {
  func.func @_sc_body(%arg0: i32, %arg1: i32, %arg2: memref<1000001x32xf32, #tpu.memory_space<hbm>>, %arg3: memref<32x4x128xi32, #tpu.memory_space<hbm>>, %arg4: memref<32x4x128xi32, #tpu.memory_space<hbm>>, %arg5: memref<32x4x128xi32, #tpu.memory_space<hbm>>, %arg6: memref<32x512x16xf32, #tpu.memory_space<hbm>>, %arg7: memref<32x16xf32, #tpu.memory_space<hbm>>, %arg8: memref<4x128xi32, #tpu.memory_space<vmem>>, %arg9: memref<4x128xi32, #tpu.memory_space<vmem>>, %arg10: memref<4x128xi32, #tpu.memory_space<vmem>>, %arg11: memref<512x32xf32, #tpu.memory_space<vmem>>, %arg12: memref<512x32xf32, #tpu.memory_space<vmem>>, %arg13: memref<512x32xf32, #tpu.memory_space<vmem>>, %arg14: memref<512x16xf32, #tpu.memory_space<vmem>>, %arg15: memref<16xf32, #tpu.memory_space<vmem>>, %arg16: memref<!tpu.dma_semaphore, #tpu.memory_space<semaphore_mem>>) attributes {dimension_semantics = [#tpu.dimension_semantics<core_parallel>, #tpu.dimension_semantics<subcore_parallel>], iteration_bounds = array<i64: 2, 16>, scalar_prefetch = 0 : i64, scratch_operands = 9 : i64, tpu.core_type = #tpu.core_type<sc_vector_subcore>, window_params = [{transform_indices = #map}, {transform_indices = #map1}, {transform_indices = #map1}, {transform_indices = #map1}, {transform_indices = #map1}, {transform_indices = #map}]} {
    %mul3A = arith.constant 2 : i32
    %mul3A_0 = arith.muli %arg1, %mul3A : i32
    %add3A = arith.addi %mul3A_0, %arg0 : i32
    "tpu.region"() ({
      %run_scoped3A = tpu.sem_alloc : memref<!tpu.dma_semaphore, #tpu.memory_space<semaphore_mem>>
      %dma_start3A_248 = arith.constant 0 : i32
      %dma_start3A_249 = arith.constant 0 : i32
      %dma_start3A_250 = tpu.memref_slice %arg3[%add3A, %dma_start3A_248, %dma_start3A_249] : memref<32x4x128xi32, #tpu.memory_space<hbm>> -> memref<1x4x128xi32, #tpu.memory_space<hbm>>
      %dma_start3A_251 = tpu.memref_squeeze %dma_start3A_250 : memref<1x4x128xi32, #tpu.memory_space<hbm>> -> memref<4x128xi32, #tpu.memory_space<hbm>>
      %dma_start3A_252 = arith.constant 0 : i32
      %dma_start3A_253 = arith.constant 0 : i32
      %dma_start3A_254 = tpu.memref_slice %arg3[%add3A, %dma_start3A_252, %dma_start3A_253] : memref<32x4x128xi32, #tpu.memory_space<hbm>> -> memref<1x4x128xi32, #tpu.memory_space<hbm>>
      %dma_start3A_255 = tpu.memref_squeeze %dma_start3A_254 : memref<1x4x128xi32, #tpu.memory_space<hbm>> -> memref<4x128xi32, #tpu.memory_space<hbm>>
      tpu.enqueue_dma source(%dma_start3A_255 : memref<4x128xi32, #tpu.memory_space<hbm>>) target(%arg8 : memref<4x128xi32, #tpu.memory_space<vmem>>) target_semaphore(%run_scoped3A : memref<!tpu.dma_semaphore, #tpu.memory_space<semaphore_mem>>)
      %dma_wait3A_256 = arith.constant 0 : i32
      %dma_wait3A_257 = arith.constant 0 : i32
      %dma_wait3A_258 = tpu.memref_slice %arg3[%add3A, %dma_wait3A_256, %dma_wait3A_257] : memref<32x4x128xi32, #tpu.memory_space<hbm>> -> memref<1x4x128xi32, #tpu.memory_space<hbm>>
      %dma_wait3A_259 = tpu.memref_squeeze %dma_wait3A_258 : memref<1x4x128xi32, #tpu.memory_space<hbm>> -> memref<4x128xi32, #tpu.memory_space<hbm>>
      %dma_wait3A_260 = arith.constant 0 : i32
      %dma_wait3A_261 = arith.constant 0 : i32
      %dma_wait3A_262 = tpu.memref_slice %arg3[%add3A, %dma_wait3A_260, %dma_wait3A_261] : memref<32x4x128xi32, #tpu.memory_space<hbm>> -> memref<1x4x128xi32, #tpu.memory_space<hbm>>
      %dma_wait3A_263 = tpu.memref_squeeze %dma_wait3A_262 : memref<1x4x128xi32, #tpu.memory_space<hbm>> -> memref<4x128xi32, #tpu.memory_space<hbm>>
      tpu.wait_dma2 semaphore(%run_scoped3A : memref<!tpu.dma_semaphore, #tpu.memory_space<semaphore_mem>>) src(%dma_wait3A_263 : memref<4x128xi32, #tpu.memory_space<hbm>>) dst(%arg8 : memref<4x128xi32, #tpu.memory_space<vmem>>)
      tpu.yield
    }) : () -> ()
    "tpu.region"() ({
      %run_scoped3A = tpu.sem_alloc : memref<!tpu.dma_semaphore, #tpu.memory_space<semaphore_mem>>
      %dma_start3A_248 = arith.constant 0 : i32
      %dma_start3A_249 = arith.constant 0 : i32
      %dma_start3A_250 = tpu.memref_slice %arg4[%add3A, %dma_start3A_248, %dma_start3A_249] : memref<32x4x128xi32, #tpu.memory_space<hbm>> -> memref<1x4x128xi32, #tpu.memory_space<hbm>>
      %dma_start3A_251 = tpu.memref_squeeze %dma_start3A_250 : memref<1x4x128xi32, #tpu.memory_space<hbm>> -> memref<4x128xi32, #tpu.memory_space<hbm>>
      %dma_start3A_252 = arith.constant 0 : i32
      %dma_start3A_253 = arith.constant 0 : i32
      %dma_start3A_254 = tpu.memref_slice %arg4[%add3A, %dma_start3A_252, %dma_start3A_253] : memref<32x4x128xi32, #tpu.memory_space<hbm>> -> memref<1x4x128xi32, #tpu.memory_space<hbm>>
      %dma_start3A_255 = tpu.memref_squeeze %dma_start3A_254 : memref<1x4x128xi32, #tpu.memory_space<hbm>> -> memref<4x128xi32, #tpu.memory_space<hbm>>
      tpu.enqueue_dma source(%dma_start3A_255 : memref<4x128xi32, #tpu.memory_space<hbm>>) target(%arg9 : memref<4x128xi32, #tpu.memory_space<vmem>>) target_semaphore(%run_scoped3A : memref<!tpu.dma_semaphore, #tpu.memory_space<semaphore_mem>>)
      %dma_wait3A_256 = arith.constant 0 : i32
      %dma_wait3A_257 = arith.constant 0 : i32
      %dma_wait3A_258 = tpu.memref_slice %arg4[%add3A, %dma_wait3A_256, %dma_wait3A_257] : memref<32x4x128xi32, #tpu.memory_space<hbm>> -> memref<1x4x128xi32, #tpu.memory_space<hbm>>
      %dma_wait3A_259 = tpu.memref_squeeze %dma_wait3A_258 : memref<1x4x128xi32, #tpu.memory_space<hbm>> -> memref<4x128xi32, #tpu.memory_space<hbm>>
      %dma_wait3A_260 = arith.constant 0 : i32
      %dma_wait3A_261 = arith.constant 0 : i32
      %dma_wait3A_262 = tpu.memref_slice %arg4[%add3A, %dma_wait3A_260, %dma_wait3A_261] : memref<32x4x128xi32, #tpu.memory_space<hbm>> -> memref<1x4x128xi32, #tpu.memory_space<hbm>>
      %dma_wait3A_263 = tpu.memref_squeeze %dma_wait3A_262 : memref<1x4x128xi32, #tpu.memory_space<hbm>> -> memref<4x128xi32, #tpu.memory_space<hbm>>
      tpu.wait_dma2 semaphore(%run_scoped3A : memref<!tpu.dma_semaphore, #tpu.memory_space<semaphore_mem>>) src(%dma_wait3A_263 : memref<4x128xi32, #tpu.memory_space<hbm>>) dst(%arg9 : memref<4x128xi32, #tpu.memory_space<vmem>>)
      tpu.yield
    }) : () -> ()
    "tpu.region"() ({
      %run_scoped3A = tpu.sem_alloc : memref<!tpu.dma_semaphore, #tpu.memory_space<semaphore_mem>>
      %dma_start3A_248 = arith.constant 0 : i32
      %dma_start3A_249 = arith.constant 0 : i32
      %dma_start3A_250 = tpu.memref_slice %arg5[%add3A, %dma_start3A_248, %dma_start3A_249] : memref<32x4x128xi32, #tpu.memory_space<hbm>> -> memref<1x4x128xi32, #tpu.memory_space<hbm>>
      %dma_start3A_251 = tpu.memref_squeeze %dma_start3A_250 : memref<1x4x128xi32, #tpu.memory_space<hbm>> -> memref<4x128xi32, #tpu.memory_space<hbm>>
      %dma_start3A_252 = arith.constant 0 : i32
      %dma_start3A_253 = arith.constant 0 : i32
      %dma_start3A_254 = tpu.memref_slice %arg5[%add3A, %dma_start3A_252, %dma_start3A_253] : memref<32x4x128xi32, #tpu.memory_space<hbm>> -> memref<1x4x128xi32, #tpu.memory_space<hbm>>
      %dma_start3A_255 = tpu.memref_squeeze %dma_start3A_254 : memref<1x4x128xi32, #tpu.memory_space<hbm>> -> memref<4x128xi32, #tpu.memory_space<hbm>>
      tpu.enqueue_dma source(%dma_start3A_255 : memref<4x128xi32, #tpu.memory_space<hbm>>) target(%arg10 : memref<4x128xi32, #tpu.memory_space<vmem>>) target_semaphore(%run_scoped3A : memref<!tpu.dma_semaphore, #tpu.memory_space<semaphore_mem>>)
      %dma_wait3A_256 = arith.constant 0 : i32
      %dma_wait3A_257 = arith.constant 0 : i32
      %dma_wait3A_258 = tpu.memref_slice %arg5[%add3A, %dma_wait3A_256, %dma_wait3A_257] : memref<32x4x128xi32, #tpu.memory_space<hbm>> -> memref<1x4x128xi32, #tpu.memory_space<hbm>>
      %dma_wait3A_259 = tpu.memref_squeeze %dma_wait3A_258 : memref<1x4x128xi32, #tpu.memory_space<hbm>> -> memref<4x128xi32, #tpu.memory_space<hbm>>
      %dma_wait3A_260 = arith.constant 0 : i32
      %dma_wait3A_261 = arith.constant 0 : i32
      %dma_wait3A_262 = tpu.memref_slice %arg5[%add3A, %dma_wait3A_260, %dma_wait3A_261] : memref<32x4x128xi32, #tpu.memory_space<hbm>> -> memref<1x4x128xi32, #tpu.memory_space<hbm>>
      %dma_wait3A_263 = tpu.memref_squeeze %dma_wait3A_262 : memref<1x4x128xi32, #tpu.memory_space<hbm>> -> memref<4x128xi32, #tpu.memory_space<hbm>>
      tpu.wait_dma2 semaphore(%run_scoped3A : memref<!tpu.dma_semaphore, #tpu.memory_space<semaphore_mem>>) src(%dma_wait3A_263 : memref<4x128xi32, #tpu.memory_space<hbm>>) dst(%arg10 : memref<4x128xi32, #tpu.memory_space<vmem>>)
      tpu.yield
    }) : () -> ()
    %dma_start3A = arith.constant 0 : i32
    %dma_start3A_1 = arith.constant 0 : i32
    %dma_start3A_2 = arith.constant 0 : i32
    %dma_start3A_3 = tpu.memref_slice %arg11[%dma_start3A_1, %dma_start3A_2] : memref<512x32xf32, #tpu.memory_space<vmem>> -> memref<128x32xf32, #tpu.memory_space<vmem>>
    %dma_start3A_4 = arith.constant 0 : i32
    %dma_start3A_5 = tpu.memref_slice %arg8[%dma_start3A, %dma_start3A_4] : memref<4x128xi32, #tpu.memory_space<vmem>> -> memref<1x128xi32, #tpu.memory_space<vmem>>
    %dma_start3A_6 = tpu.memref_squeeze %dma_start3A_5 : memref<1x128xi32, #tpu.memory_space<vmem>> -> memref<128xi32, #tpu.memory_space<vmem>>
    %dma_start3A_7 = arith.constant 0 : i32
    %dma_start3A_8 = arith.constant 0 : i32
    %dma_start3A_9 = tpu.memref_slice %arg2[%dma_start3A_7, %dma_start3A_8] : memref<1000001x32xf32, #tpu.memory_space<hbm>> -> memref<1000001x32xf32, #tpu.memory_space<hbm>>
    tpu.enqueue_indirect_dma source(%dma_start3A_9 : memref<1000001x32xf32, #tpu.memory_space<hbm>>) target(%dma_start3A_3 : memref<128x32xf32, #tpu.memory_space<vmem>>) offsets(%dma_start3A_6 : memref<128xi32, #tpu.memory_space<vmem>>) semaphore(%arg16 : memref<!tpu.dma_semaphore, #tpu.memory_space<semaphore_mem>>)
    %dma_start3A_10 = arith.constant 1 : i32
    %dma_start3A_11 = arith.constant 128 : i32
    %dma_start3A_12 = arith.constant 0 : i32
    %dma_start3A_13 = tpu.memref_slice %arg11[%dma_start3A_11, %dma_start3A_12] : memref<512x32xf32, #tpu.memory_space<vmem>> -> memref<128x32xf32, #tpu.memory_space<vmem>>
    %dma_start3A_14 = arith.constant 0 : i32
    %dma_start3A_15 = tpu.memref_slice %arg8[%dma_start3A_10, %dma_start3A_14] : memref<4x128xi32, #tpu.memory_space<vmem>> -> memref<1x128xi32, #tpu.memory_space<vmem>>
    %dma_start3A_16 = tpu.memref_squeeze %dma_start3A_15 : memref<1x128xi32, #tpu.memory_space<vmem>> -> memref<128xi32, #tpu.memory_space<vmem>>
    %dma_start3A_17 = arith.constant 0 : i32
    %dma_start3A_18 = arith.constant 0 : i32
    %dma_start3A_19 = tpu.memref_slice %arg2[%dma_start3A_17, %dma_start3A_18] : memref<1000001x32xf32, #tpu.memory_space<hbm>> -> memref<1000001x32xf32, #tpu.memory_space<hbm>>
    tpu.enqueue_indirect_dma source(%dma_start3A_19 : memref<1000001x32xf32, #tpu.memory_space<hbm>>) target(%dma_start3A_13 : memref<128x32xf32, #tpu.memory_space<vmem>>) offsets(%dma_start3A_16 : memref<128xi32, #tpu.memory_space<vmem>>) semaphore(%arg16 : memref<!tpu.dma_semaphore, #tpu.memory_space<semaphore_mem>>)
    %dma_start3A_20 = arith.constant 2 : i32
    %dma_start3A_21 = arith.constant 256 : i32
    %dma_start3A_22 = arith.constant 0 : i32
    %dma_start3A_23 = tpu.memref_slice %arg11[%dma_start3A_21, %dma_start3A_22] : memref<512x32xf32, #tpu.memory_space<vmem>> -> memref<128x32xf32, #tpu.memory_space<vmem>>
    %dma_start3A_24 = arith.constant 0 : i32
    %dma_start3A_25 = tpu.memref_slice %arg8[%dma_start3A_20, %dma_start3A_24] : memref<4x128xi32, #tpu.memory_space<vmem>> -> memref<1x128xi32, #tpu.memory_space<vmem>>
    %dma_start3A_26 = tpu.memref_squeeze %dma_start3A_25 : memref<1x128xi32, #tpu.memory_space<vmem>> -> memref<128xi32, #tpu.memory_space<vmem>>
    %dma_start3A_27 = arith.constant 0 : i32
    %dma_start3A_28 = arith.constant 0 : i32
    %dma_start3A_29 = tpu.memref_slice %arg2[%dma_start3A_27, %dma_start3A_28] : memref<1000001x32xf32, #tpu.memory_space<hbm>> -> memref<1000001x32xf32, #tpu.memory_space<hbm>>
    tpu.enqueue_indirect_dma source(%dma_start3A_29 : memref<1000001x32xf32, #tpu.memory_space<hbm>>) target(%dma_start3A_23 : memref<128x32xf32, #tpu.memory_space<vmem>>) offsets(%dma_start3A_26 : memref<128xi32, #tpu.memory_space<vmem>>) semaphore(%arg16 : memref<!tpu.dma_semaphore, #tpu.memory_space<semaphore_mem>>)
    %dma_start3A_30 = arith.constant 3 : i32
    %dma_start3A_31 = arith.constant 384 : i32
    %dma_start3A_32 = arith.constant 0 : i32
    %dma_start3A_33 = tpu.memref_slice %arg11[%dma_start3A_31, %dma_start3A_32] : memref<512x32xf32, #tpu.memory_space<vmem>> -> memref<128x32xf32, #tpu.memory_space<vmem>>
    %dma_start3A_34 = arith.constant 0 : i32
    %dma_start3A_35 = tpu.memref_slice %arg8[%dma_start3A_30, %dma_start3A_34] : memref<4x128xi32, #tpu.memory_space<vmem>> -> memref<1x128xi32, #tpu.memory_space<vmem>>
    %dma_start3A_36 = tpu.memref_squeeze %dma_start3A_35 : memref<1x128xi32, #tpu.memory_space<vmem>> -> memref<128xi32, #tpu.memory_space<vmem>>
    %dma_start3A_37 = arith.constant 0 : i32
    %dma_start3A_38 = arith.constant 0 : i32
    %dma_start3A_39 = tpu.memref_slice %arg2[%dma_start3A_37, %dma_start3A_38] : memref<1000001x32xf32, #tpu.memory_space<hbm>> -> memref<1000001x32xf32, #tpu.memory_space<hbm>>
    tpu.enqueue_indirect_dma source(%dma_start3A_39 : memref<1000001x32xf32, #tpu.memory_space<hbm>>) target(%dma_start3A_33 : memref<128x32xf32, #tpu.memory_space<vmem>>) offsets(%dma_start3A_36 : memref<128xi32, #tpu.memory_space<vmem>>) semaphore(%arg16 : memref<!tpu.dma_semaphore, #tpu.memory_space<semaphore_mem>>)
    %dma_start3A_40 = arith.constant 0 : i32
    %dma_start3A_41 = arith.constant 0 : i32
    %dma_start3A_42 = arith.constant 0 : i32
    %dma_start3A_43 = tpu.memref_slice %arg12[%dma_start3A_41, %dma_start3A_42] : memref<512x32xf32, #tpu.memory_space<vmem>> -> memref<128x32xf32, #tpu.memory_space<vmem>>
    %dma_start3A_44 = arith.constant 0 : i32
    %dma_start3A_45 = tpu.memref_slice %arg9[%dma_start3A_40, %dma_start3A_44] : memref<4x128xi32, #tpu.memory_space<vmem>> -> memref<1x128xi32, #tpu.memory_space<vmem>>
    %dma_start3A_46 = tpu.memref_squeeze %dma_start3A_45 : memref<1x128xi32, #tpu.memory_space<vmem>> -> memref<128xi32, #tpu.memory_space<vmem>>
    %dma_start3A_47 = arith.constant 0 : i32
    %dma_start3A_48 = arith.constant 0 : i32
    %dma_start3A_49 = tpu.memref_slice %arg2[%dma_start3A_47, %dma_start3A_48] : memref<1000001x32xf32, #tpu.memory_space<hbm>> -> memref<1000001x32xf32, #tpu.memory_space<hbm>>
    tpu.enqueue_indirect_dma source(%dma_start3A_49 : memref<1000001x32xf32, #tpu.memory_space<hbm>>) target(%dma_start3A_43 : memref<128x32xf32, #tpu.memory_space<vmem>>) offsets(%dma_start3A_46 : memref<128xi32, #tpu.memory_space<vmem>>) semaphore(%arg16 : memref<!tpu.dma_semaphore, #tpu.memory_space<semaphore_mem>>)
    %dma_start3A_50 = arith.constant 1 : i32
    %dma_start3A_51 = arith.constant 128 : i32
    %dma_start3A_52 = arith.constant 0 : i32
    %dma_start3A_53 = tpu.memref_slice %arg12[%dma_start3A_51, %dma_start3A_52] : memref<512x32xf32, #tpu.memory_space<vmem>> -> memref<128x32xf32, #tpu.memory_space<vmem>>
    %dma_start3A_54 = arith.constant 0 : i32
    %dma_start3A_55 = tpu.memref_slice %arg9[%dma_start3A_50, %dma_start3A_54] : memref<4x128xi32, #tpu.memory_space<vmem>> -> memref<1x128xi32, #tpu.memory_space<vmem>>
    %dma_start3A_56 = tpu.memref_squeeze %dma_start3A_55 : memref<1x128xi32, #tpu.memory_space<vmem>> -> memref<128xi32, #tpu.memory_space<vmem>>
    %dma_start3A_57 = arith.constant 0 : i32
    %dma_start3A_58 = arith.constant 0 : i32
    %dma_start3A_59 = tpu.memref_slice %arg2[%dma_start3A_57, %dma_start3A_58] : memref<1000001x32xf32, #tpu.memory_space<hbm>> -> memref<1000001x32xf32, #tpu.memory_space<hbm>>
    tpu.enqueue_indirect_dma source(%dma_start3A_59 : memref<1000001x32xf32, #tpu.memory_space<hbm>>) target(%dma_start3A_53 : memref<128x32xf32, #tpu.memory_space<vmem>>) offsets(%dma_start3A_56 : memref<128xi32, #tpu.memory_space<vmem>>) semaphore(%arg16 : memref<!tpu.dma_semaphore, #tpu.memory_space<semaphore_mem>>)
    %dma_start3A_60 = arith.constant 2 : i32
    %dma_start3A_61 = arith.constant 256 : i32
    %dma_start3A_62 = arith.constant 0 : i32
    %dma_start3A_63 = tpu.memref_slice %arg12[%dma_start3A_61, %dma_start3A_62] : memref<512x32xf32, #tpu.memory_space<vmem>> -> memref<128x32xf32, #tpu.memory_space<vmem>>
    %dma_start3A_64 = arith.constant 0 : i32
    %dma_start3A_65 = tpu.memref_slice %arg9[%dma_start3A_60, %dma_start3A_64] : memref<4x128xi32, #tpu.memory_space<vmem>> -> memref<1x128xi32, #tpu.memory_space<vmem>>
    %dma_start3A_66 = tpu.memref_squeeze %dma_start3A_65 : memref<1x128xi32, #tpu.memory_space<vmem>> -> memref<128xi32, #tpu.memory_space<vmem>>
    %dma_start3A_67 = arith.constant 0 : i32
    %dma_start3A_68 = arith.constant 0 : i32
    %dma_start3A_69 = tpu.memref_slice %arg2[%dma_start3A_67, %dma_start3A_68] : memref<1000001x32xf32, #tpu.memory_space<hbm>> -> memref<1000001x32xf32, #tpu.memory_space<hbm>>
    tpu.enqueue_indirect_dma source(%dma_start3A_69 : memref<1000001x32xf32, #tpu.memory_space<hbm>>) target(%dma_start3A_63 : memref<128x32xf32, #tpu.memory_space<vmem>>) offsets(%dma_start3A_66 : memref<128xi32, #tpu.memory_space<vmem>>) semaphore(%arg16 : memref<!tpu.dma_semaphore, #tpu.memory_space<semaphore_mem>>)
    %dma_start3A_70 = arith.constant 3 : i32
    %dma_start3A_71 = arith.constant 384 : i32
    %dma_start3A_72 = arith.constant 0 : i32
    %dma_start3A_73 = tpu.memref_slice %arg12[%dma_start3A_71, %dma_start3A_72] : memref<512x32xf32, #tpu.memory_space<vmem>> -> memref<128x32xf32, #tpu.memory_space<vmem>>
    %dma_start3A_74 = arith.constant 0 : i32
    %dma_start3A_75 = tpu.memref_slice %arg9[%dma_start3A_70, %dma_start3A_74] : memref<4x128xi32, #tpu.memory_space<vmem>> -> memref<1x128xi32, #tpu.memory_space<vmem>>
    %dma_start3A_76 = tpu.memref_squeeze %dma_start3A_75 : memref<1x128xi32, #tpu.memory_space<vmem>> -> memref<128xi32, #tpu.memory_space<vmem>>
    %dma_start3A_77 = arith.constant 0 : i32
    %dma_start3A_78 = arith.constant 0 : i32
    %dma_start3A_79 = tpu.memref_slice %arg2[%dma_start3A_77, %dma_start3A_78] : memref<1000001x32xf32, #tpu.memory_space<hbm>> -> memref<1000001x32xf32, #tpu.memory_space<hbm>>
    tpu.enqueue_indirect_dma source(%dma_start3A_79 : memref<1000001x32xf32, #tpu.memory_space<hbm>>) target(%dma_start3A_73 : memref<128x32xf32, #tpu.memory_space<vmem>>) offsets(%dma_start3A_76 : memref<128xi32, #tpu.memory_space<vmem>>) semaphore(%arg16 : memref<!tpu.dma_semaphore, #tpu.memory_space<semaphore_mem>>)
    %dma_start3A_80 = arith.constant 0 : i32
    %dma_start3A_81 = arith.constant 0 : i32
    %dma_start3A_82 = arith.constant 0 : i32
    %dma_start3A_83 = tpu.memref_slice %arg13[%dma_start3A_81, %dma_start3A_82] : memref<512x32xf32, #tpu.memory_space<vmem>> -> memref<128x32xf32, #tpu.memory_space<vmem>>
    %dma_start3A_84 = arith.constant 0 : i32
    %dma_start3A_85 = tpu.memref_slice %arg10[%dma_start3A_80, %dma_start3A_84] : memref<4x128xi32, #tpu.memory_space<vmem>> -> memref<1x128xi32, #tpu.memory_space<vmem>>
    %dma_start3A_86 = tpu.memref_squeeze %dma_start3A_85 : memref<1x128xi32, #tpu.memory_space<vmem>> -> memref<128xi32, #tpu.memory_space<vmem>>
    %dma_start3A_87 = arith.constant 0 : i32
    %dma_start3A_88 = arith.constant 0 : i32
    %dma_start3A_89 = tpu.memref_slice %arg2[%dma_start3A_87, %dma_start3A_88] : memref<1000001x32xf32, #tpu.memory_space<hbm>> -> memref<1000001x32xf32, #tpu.memory_space<hbm>>
    tpu.enqueue_indirect_dma source(%dma_start3A_89 : memref<1000001x32xf32, #tpu.memory_space<hbm>>) target(%dma_start3A_83 : memref<128x32xf32, #tpu.memory_space<vmem>>) offsets(%dma_start3A_86 : memref<128xi32, #tpu.memory_space<vmem>>) semaphore(%arg16 : memref<!tpu.dma_semaphore, #tpu.memory_space<semaphore_mem>>)
    %dma_start3A_90 = arith.constant 1 : i32
    %dma_start3A_91 = arith.constant 128 : i32
    %dma_start3A_92 = arith.constant 0 : i32
    %dma_start3A_93 = tpu.memref_slice %arg13[%dma_start3A_91, %dma_start3A_92] : memref<512x32xf32, #tpu.memory_space<vmem>> -> memref<128x32xf32, #tpu.memory_space<vmem>>
    %dma_start3A_94 = arith.constant 0 : i32
    %dma_start3A_95 = tpu.memref_slice %arg10[%dma_start3A_90, %dma_start3A_94] : memref<4x128xi32, #tpu.memory_space<vmem>> -> memref<1x128xi32, #tpu.memory_space<vmem>>
    %dma_start3A_96 = tpu.memref_squeeze %dma_start3A_95 : memref<1x128xi32, #tpu.memory_space<vmem>> -> memref<128xi32, #tpu.memory_space<vmem>>
    %dma_start3A_97 = arith.constant 0 : i32
    %dma_start3A_98 = arith.constant 0 : i32
    %dma_start3A_99 = tpu.memref_slice %arg2[%dma_start3A_97, %dma_start3A_98] : memref<1000001x32xf32, #tpu.memory_space<hbm>> -> memref<1000001x32xf32, #tpu.memory_space<hbm>>
    tpu.enqueue_indirect_dma source(%dma_start3A_99 : memref<1000001x32xf32, #tpu.memory_space<hbm>>) target(%dma_start3A_93 : memref<128x32xf32, #tpu.memory_space<vmem>>) offsets(%dma_start3A_96 : memref<128xi32, #tpu.memory_space<vmem>>) semaphore(%arg16 : memref<!tpu.dma_semaphore, #tpu.memory_space<semaphore_mem>>)
    %dma_start3A_100 = arith.constant 2 : i32
    %dma_start3A_101 = arith.constant 256 : i32
    %dma_start3A_102 = arith.constant 0 : i32
    %dma_start3A_103 = tpu.memref_slice %arg13[%dma_start3A_101, %dma_start3A_102] : memref<512x32xf32, #tpu.memory_space<vmem>> -> memref<128x32xf32, #tpu.memory_space<vmem>>
    %dma_start3A_104 = arith.constant 0 : i32
    %dma_start3A_105 = tpu.memref_slice %arg10[%dma_start3A_100, %dma_start3A_104] : memref<4x128xi32, #tpu.memory_space<vmem>> -> memref<1x128xi32, #tpu.memory_space<vmem>>
    %dma_start3A_106 = tpu.memref_squeeze %dma_start3A_105 : memref<1x128xi32, #tpu.memory_space<vmem>> -> memref<128xi32, #tpu.memory_space<vmem>>
    %dma_start3A_107 = arith.constant 0 : i32
    %dma_start3A_108 = arith.constant 0 : i32
    %dma_start3A_109 = tpu.memref_slice %arg2[%dma_start3A_107, %dma_start3A_108] : memref<1000001x32xf32, #tpu.memory_space<hbm>> -> memref<1000001x32xf32, #tpu.memory_space<hbm>>
    tpu.enqueue_indirect_dma source(%dma_start3A_109 : memref<1000001x32xf32, #tpu.memory_space<hbm>>) target(%dma_start3A_103 : memref<128x32xf32, #tpu.memory_space<vmem>>) offsets(%dma_start3A_106 : memref<128xi32, #tpu.memory_space<vmem>>) semaphore(%arg16 : memref<!tpu.dma_semaphore, #tpu.memory_space<semaphore_mem>>)
    %dma_start3A_110 = arith.constant 3 : i32
    %dma_start3A_111 = arith.constant 384 : i32
    %dma_start3A_112 = arith.constant 0 : i32
    %dma_start3A_113 = tpu.memref_slice %arg13[%dma_start3A_111, %dma_start3A_112] : memref<512x32xf32, #tpu.memory_space<vmem>> -> memref<128x32xf32, #tpu.memory_space<vmem>>
    %dma_start3A_114 = arith.constant 0 : i32
    %dma_start3A_115 = tpu.memref_slice %arg10[%dma_start3A_110, %dma_start3A_114] : memref<4x128xi32, #tpu.memory_space<vmem>> -> memref<1x128xi32, #tpu.memory_space<vmem>>
    %dma_start3A_116 = tpu.memref_squeeze %dma_start3A_115 : memref<1x128xi32, #tpu.memory_space<vmem>> -> memref<128xi32, #tpu.memory_space<vmem>>
    %dma_start3A_117 = arith.constant 0 : i32
    %dma_start3A_118 = arith.constant 0 : i32
    %dma_start3A_119 = tpu.memref_slice %arg2[%dma_start3A_117, %dma_start3A_118] : memref<1000001x32xf32, #tpu.memory_space<hbm>> -> memref<1000001x32xf32, #tpu.memory_space<hbm>>
    tpu.enqueue_indirect_dma source(%dma_start3A_119 : memref<1000001x32xf32, #tpu.memory_space<hbm>>) target(%dma_start3A_113 : memref<128x32xf32, #tpu.memory_space<vmem>>) offsets(%dma_start3A_116 : memref<128xi32, #tpu.memory_space<vmem>>) semaphore(%arg16 : memref<!tpu.dma_semaphore, #tpu.memory_space<semaphore_mem>>)
    %dma_wait3A = arith.constant 0 : i32
    %dma_wait3A_120 = arith.constant 0 : i32
    %dma_wait3A_121 = arith.constant 0 : i32
    %dma_wait3A_122 = tpu.memref_slice %arg11[%dma_wait3A_120, %dma_wait3A_121] : memref<512x32xf32, #tpu.memory_space<vmem>> -> memref<128x32xf32, #tpu.memory_space<vmem>>
    %dma_wait3A_123 = arith.constant 0 : i32
    %dma_wait3A_124 = tpu.memref_slice %arg8[%dma_wait3A, %dma_wait3A_123] : memref<4x128xi32, #tpu.memory_space<vmem>> -> memref<1x128xi32, #tpu.memory_space<vmem>>
    %dma_wait3A_125 = tpu.memref_squeeze %dma_wait3A_124 : memref<1x128xi32, #tpu.memory_space<vmem>> -> memref<128xi32, #tpu.memory_space<vmem>>
    %dma_wait3A_126 = arith.constant 0 : i32
    %dma_wait3A_127 = arith.constant 0 : i32
    %dma_wait3A_128 = tpu.memref_slice %arg2[%dma_wait3A_126, %dma_wait3A_127] : memref<1000001x32xf32, #tpu.memory_space<hbm>> -> memref<1000001x32xf32, #tpu.memory_space<hbm>>
    tpu.wait_indirect_dma semaphore(%arg16 : memref<!tpu.dma_semaphore, #tpu.memory_space<semaphore_mem>>) src(%dma_wait3A_128 : memref<1000001x32xf32, #tpu.memory_space<hbm>>) dst(%dma_wait3A_122 : memref<128x32xf32, #tpu.memory_space<vmem>>)
    %dma_wait3A_129 = arith.constant 1 : i32
    %dma_wait3A_130 = arith.constant 128 : i32
    %dma_wait3A_131 = arith.constant 0 : i32
    %dma_wait3A_132 = tpu.memref_slice %arg11[%dma_wait3A_130, %dma_wait3A_131] : memref<512x32xf32, #tpu.memory_space<vmem>> -> memref<128x32xf32, #tpu.memory_space<vmem>>
    %dma_wait3A_133 = arith.constant 0 : i32
    %dma_wait3A_134 = tpu.memref_slice %arg8[%dma_wait3A_129, %dma_wait3A_133] : memref<4x128xi32, #tpu.memory_space<vmem>> -> memref<1x128xi32, #tpu.memory_space<vmem>>
    %dma_wait3A_135 = tpu.memref_squeeze %dma_wait3A_134 : memref<1x128xi32, #tpu.memory_space<vmem>> -> memref<128xi32, #tpu.memory_space<vmem>>
    %dma_wait3A_136 = arith.constant 0 : i32
    %dma_wait3A_137 = arith.constant 0 : i32
    %dma_wait3A_138 = tpu.memref_slice %arg2[%dma_wait3A_136, %dma_wait3A_137] : memref<1000001x32xf32, #tpu.memory_space<hbm>> -> memref<1000001x32xf32, #tpu.memory_space<hbm>>
    tpu.wait_indirect_dma semaphore(%arg16 : memref<!tpu.dma_semaphore, #tpu.memory_space<semaphore_mem>>) src(%dma_wait3A_138 : memref<1000001x32xf32, #tpu.memory_space<hbm>>) dst(%dma_wait3A_132 : memref<128x32xf32, #tpu.memory_space<vmem>>)
    %dma_wait3A_139 = arith.constant 2 : i32
    %dma_wait3A_140 = arith.constant 256 : i32
    %dma_wait3A_141 = arith.constant 0 : i32
    %dma_wait3A_142 = tpu.memref_slice %arg11[%dma_wait3A_140, %dma_wait3A_141] : memref<512x32xf32, #tpu.memory_space<vmem>> -> memref<128x32xf32, #tpu.memory_space<vmem>>
    %dma_wait3A_143 = arith.constant 0 : i32
    %dma_wait3A_144 = tpu.memref_slice %arg8[%dma_wait3A_139, %dma_wait3A_143] : memref<4x128xi32, #tpu.memory_space<vmem>> -> memref<1x128xi32, #tpu.memory_space<vmem>>
    %dma_wait3A_145 = tpu.memref_squeeze %dma_wait3A_144 : memref<1x128xi32, #tpu.memory_space<vmem>> -> memref<128xi32, #tpu.memory_space<vmem>>
    %dma_wait3A_146 = arith.constant 0 : i32
    %dma_wait3A_147 = arith.constant 0 : i32
    %dma_wait3A_148 = tpu.memref_slice %arg2[%dma_wait3A_146, %dma_wait3A_147] : memref<1000001x32xf32, #tpu.memory_space<hbm>> -> memref<1000001x32xf32, #tpu.memory_space<hbm>>
    tpu.wait_indirect_dma semaphore(%arg16 : memref<!tpu.dma_semaphore, #tpu.memory_space<semaphore_mem>>) src(%dma_wait3A_148 : memref<1000001x32xf32, #tpu.memory_space<hbm>>) dst(%dma_wait3A_142 : memref<128x32xf32, #tpu.memory_space<vmem>>)
    %dma_wait3A_149 = arith.constant 3 : i32
    %dma_wait3A_150 = arith.constant 384 : i32
    %dma_wait3A_151 = arith.constant 0 : i32
    %dma_wait3A_152 = tpu.memref_slice %arg11[%dma_wait3A_150, %dma_wait3A_151] : memref<512x32xf32, #tpu.memory_space<vmem>> -> memref<128x32xf32, #tpu.memory_space<vmem>>
    %dma_wait3A_153 = arith.constant 0 : i32
    %dma_wait3A_154 = tpu.memref_slice %arg8[%dma_wait3A_149, %dma_wait3A_153] : memref<4x128xi32, #tpu.memory_space<vmem>> -> memref<1x128xi32, #tpu.memory_space<vmem>>
    %dma_wait3A_155 = tpu.memref_squeeze %dma_wait3A_154 : memref<1x128xi32, #tpu.memory_space<vmem>> -> memref<128xi32, #tpu.memory_space<vmem>>
    %dma_wait3A_156 = arith.constant 0 : i32
    %dma_wait3A_157 = arith.constant 0 : i32
    %dma_wait3A_158 = tpu.memref_slice %arg2[%dma_wait3A_156, %dma_wait3A_157] : memref<1000001x32xf32, #tpu.memory_space<hbm>> -> memref<1000001x32xf32, #tpu.memory_space<hbm>>
    tpu.wait_indirect_dma semaphore(%arg16 : memref<!tpu.dma_semaphore, #tpu.memory_space<semaphore_mem>>) src(%dma_wait3A_158 : memref<1000001x32xf32, #tpu.memory_space<hbm>>) dst(%dma_wait3A_152 : memref<128x32xf32, #tpu.memory_space<vmem>>)
    %dma_wait3A_159 = arith.constant 0 : i32
    %dma_wait3A_160 = arith.constant 0 : i32
    %dma_wait3A_161 = arith.constant 0 : i32
    %dma_wait3A_162 = tpu.memref_slice %arg12[%dma_wait3A_160, %dma_wait3A_161] : memref<512x32xf32, #tpu.memory_space<vmem>> -> memref<128x32xf32, #tpu.memory_space<vmem>>
    %dma_wait3A_163 = arith.constant 0 : i32
    %dma_wait3A_164 = tpu.memref_slice %arg9[%dma_wait3A_159, %dma_wait3A_163] : memref<4x128xi32, #tpu.memory_space<vmem>> -> memref<1x128xi32, #tpu.memory_space<vmem>>
    %dma_wait3A_165 = tpu.memref_squeeze %dma_wait3A_164 : memref<1x128xi32, #tpu.memory_space<vmem>> -> memref<128xi32, #tpu.memory_space<vmem>>
    %dma_wait3A_166 = arith.constant 0 : i32
    %dma_wait3A_167 = arith.constant 0 : i32
    %dma_wait3A_168 = tpu.memref_slice %arg2[%dma_wait3A_166, %dma_wait3A_167] : memref<1000001x32xf32, #tpu.memory_space<hbm>> -> memref<1000001x32xf32, #tpu.memory_space<hbm>>
    tpu.wait_indirect_dma semaphore(%arg16 : memref<!tpu.dma_semaphore, #tpu.memory_space<semaphore_mem>>) src(%dma_wait3A_168 : memref<1000001x32xf32, #tpu.memory_space<hbm>>) dst(%dma_wait3A_162 : memref<128x32xf32, #tpu.memory_space<vmem>>)
    %dma_wait3A_169 = arith.constant 1 : i32
    %dma_wait3A_170 = arith.constant 128 : i32
    %dma_wait3A_171 = arith.constant 0 : i32
    %dma_wait3A_172 = tpu.memref_slice %arg12[%dma_wait3A_170, %dma_wait3A_171] : memref<512x32xf32, #tpu.memory_space<vmem>> -> memref<128x32xf32, #tpu.memory_space<vmem>>
    %dma_wait3A_173 = arith.constant 0 : i32
    %dma_wait3A_174 = tpu.memref_slice %arg9[%dma_wait3A_169, %dma_wait3A_173] : memref<4x128xi32, #tpu.memory_space<vmem>> -> memref<1x128xi32, #tpu.memory_space<vmem>>
    %dma_wait3A_175 = tpu.memref_squeeze %dma_wait3A_174 : memref<1x128xi32, #tpu.memory_space<vmem>> -> memref<128xi32, #tpu.memory_space<vmem>>
    %dma_wait3A_176 = arith.constant 0 : i32
    %dma_wait3A_177 = arith.constant 0 : i32
    %dma_wait3A_178 = tpu.memref_slice %arg2[%dma_wait3A_176, %dma_wait3A_177] : memref<1000001x32xf32, #tpu.memory_space<hbm>> -> memref<1000001x32xf32, #tpu.memory_space<hbm>>
    tpu.wait_indirect_dma semaphore(%arg16 : memref<!tpu.dma_semaphore, #tpu.memory_space<semaphore_mem>>) src(%dma_wait3A_178 : memref<1000001x32xf32, #tpu.memory_space<hbm>>) dst(%dma_wait3A_172 : memref<128x32xf32, #tpu.memory_space<vmem>>)
    %dma_wait3A_179 = arith.constant 2 : i32
    %dma_wait3A_180 = arith.constant 256 : i32
    %dma_wait3A_181 = arith.constant 0 : i32
    %dma_wait3A_182 = tpu.memref_slice %arg12[%dma_wait3A_180, %dma_wait3A_181] : memref<512x32xf32, #tpu.memory_space<vmem>> -> memref<128x32xf32, #tpu.memory_space<vmem>>
    %dma_wait3A_183 = arith.constant 0 : i32
    %dma_wait3A_184 = tpu.memref_slice %arg9[%dma_wait3A_179, %dma_wait3A_183] : memref<4x128xi32, #tpu.memory_space<vmem>> -> memref<1x128xi32, #tpu.memory_space<vmem>>
    %dma_wait3A_185 = tpu.memref_squeeze %dma_wait3A_184 : memref<1x128xi32, #tpu.memory_space<vmem>> -> memref<128xi32, #tpu.memory_space<vmem>>
    %dma_wait3A_186 = arith.constant 0 : i32
    %dma_wait3A_187 = arith.constant 0 : i32
    %dma_wait3A_188 = tpu.memref_slice %arg2[%dma_wait3A_186, %dma_wait3A_187] : memref<1000001x32xf32, #tpu.memory_space<hbm>> -> memref<1000001x32xf32, #tpu.memory_space<hbm>>
    tpu.wait_indirect_dma semaphore(%arg16 : memref<!tpu.dma_semaphore, #tpu.memory_space<semaphore_mem>>) src(%dma_wait3A_188 : memref<1000001x32xf32, #tpu.memory_space<hbm>>) dst(%dma_wait3A_182 : memref<128x32xf32, #tpu.memory_space<vmem>>)
    %dma_wait3A_189 = arith.constant 3 : i32
    %dma_wait3A_190 = arith.constant 384 : i32
    %dma_wait3A_191 = arith.constant 0 : i32
    %dma_wait3A_192 = tpu.memref_slice %arg12[%dma_wait3A_190, %dma_wait3A_191] : memref<512x32xf32, #tpu.memory_space<vmem>> -> memref<128x32xf32, #tpu.memory_space<vmem>>
    %dma_wait3A_193 = arith.constant 0 : i32
    %dma_wait3A_194 = tpu.memref_slice %arg9[%dma_wait3A_189, %dma_wait3A_193] : memref<4x128xi32, #tpu.memory_space<vmem>> -> memref<1x128xi32, #tpu.memory_space<vmem>>
    %dma_wait3A_195 = tpu.memref_squeeze %dma_wait3A_194 : memref<1x128xi32, #tpu.memory_space<vmem>> -> memref<128xi32, #tpu.memory_space<vmem>>
    %dma_wait3A_196 = arith.constant 0 : i32
    %dma_wait3A_197 = arith.constant 0 : i32
    %dma_wait3A_198 = tpu.memref_slice %arg2[%dma_wait3A_196, %dma_wait3A_197] : memref<1000001x32xf32, #tpu.memory_space<hbm>> -> memref<1000001x32xf32, #tpu.memory_space<hbm>>
    tpu.wait_indirect_dma semaphore(%arg16 : memref<!tpu.dma_semaphore, #tpu.memory_space<semaphore_mem>>) src(%dma_wait3A_198 : memref<1000001x32xf32, #tpu.memory_space<hbm>>) dst(%dma_wait3A_192 : memref<128x32xf32, #tpu.memory_space<vmem>>)
    %dma_wait3A_199 = arith.constant 0 : i32
    %dma_wait3A_200 = arith.constant 0 : i32
    %dma_wait3A_201 = arith.constant 0 : i32
    %dma_wait3A_202 = tpu.memref_slice %arg13[%dma_wait3A_200, %dma_wait3A_201] : memref<512x32xf32, #tpu.memory_space<vmem>> -> memref<128x32xf32, #tpu.memory_space<vmem>>
    %dma_wait3A_203 = arith.constant 0 : i32
    %dma_wait3A_204 = tpu.memref_slice %arg10[%dma_wait3A_199, %dma_wait3A_203] : memref<4x128xi32, #tpu.memory_space<vmem>> -> memref<1x128xi32, #tpu.memory_space<vmem>>
    %dma_wait3A_205 = tpu.memref_squeeze %dma_wait3A_204 : memref<1x128xi32, #tpu.memory_space<vmem>> -> memref<128xi32, #tpu.memory_space<vmem>>
    %dma_wait3A_206 = arith.constant 0 : i32
    %dma_wait3A_207 = arith.constant 0 : i32
    %dma_wait3A_208 = tpu.memref_slice %arg2[%dma_wait3A_206, %dma_wait3A_207] : memref<1000001x32xf32, #tpu.memory_space<hbm>> -> memref<1000001x32xf32, #tpu.memory_space<hbm>>
    tpu.wait_indirect_dma semaphore(%arg16 : memref<!tpu.dma_semaphore, #tpu.memory_space<semaphore_mem>>) src(%dma_wait3A_208 : memref<1000001x32xf32, #tpu.memory_space<hbm>>) dst(%dma_wait3A_202 : memref<128x32xf32, #tpu.memory_space<vmem>>)
    %dma_wait3A_209 = arith.constant 1 : i32
    %dma_wait3A_210 = arith.constant 128 : i32
    %dma_wait3A_211 = arith.constant 0 : i32
    %dma_wait3A_212 = tpu.memref_slice %arg13[%dma_wait3A_210, %dma_wait3A_211] : memref<512x32xf32, #tpu.memory_space<vmem>> -> memref<128x32xf32, #tpu.memory_space<vmem>>
    %dma_wait3A_213 = arith.constant 0 : i32
    %dma_wait3A_214 = tpu.memref_slice %arg10[%dma_wait3A_209, %dma_wait3A_213] : memref<4x128xi32, #tpu.memory_space<vmem>> -> memref<1x128xi32, #tpu.memory_space<vmem>>
    %dma_wait3A_215 = tpu.memref_squeeze %dma_wait3A_214 : memref<1x128xi32, #tpu.memory_space<vmem>> -> memref<128xi32, #tpu.memory_space<vmem>>
    %dma_wait3A_216 = arith.constant 0 : i32
    %dma_wait3A_217 = arith.constant 0 : i32
    %dma_wait3A_218 = tpu.memref_slice %arg2[%dma_wait3A_216, %dma_wait3A_217] : memref<1000001x32xf32, #tpu.memory_space<hbm>> -> memref<1000001x32xf32, #tpu.memory_space<hbm>>
    tpu.wait_indirect_dma semaphore(%arg16 : memref<!tpu.dma_semaphore, #tpu.memory_space<semaphore_mem>>) src(%dma_wait3A_218 : memref<1000001x32xf32, #tpu.memory_space<hbm>>) dst(%dma_wait3A_212 : memref<128x32xf32, #tpu.memory_space<vmem>>)
    %dma_wait3A_219 = arith.constant 2 : i32
    %dma_wait3A_220 = arith.constant 256 : i32
    %dma_wait3A_221 = arith.constant 0 : i32
    %dma_wait3A_222 = tpu.memref_slice %arg13[%dma_wait3A_220, %dma_wait3A_221] : memref<512x32xf32, #tpu.memory_space<vmem>> -> memref<128x32xf32, #tpu.memory_space<vmem>>
    %dma_wait3A_223 = arith.constant 0 : i32
    %dma_wait3A_224 = tpu.memref_slice %arg10[%dma_wait3A_219, %dma_wait3A_223] : memref<4x128xi32, #tpu.memory_space<vmem>> -> memref<1x128xi32, #tpu.memory_space<vmem>>
    %dma_wait3A_225 = tpu.memref_squeeze %dma_wait3A_224 : memref<1x128xi32, #tpu.memory_space<vmem>> -> memref<128xi32, #tpu.memory_space<vmem>>
    %dma_wait3A_226 = arith.constant 0 : i32
    %dma_wait3A_227 = arith.constant 0 : i32
    %dma_wait3A_228 = tpu.memref_slice %arg2[%dma_wait3A_226, %dma_wait3A_227] : memref<1000001x32xf32, #tpu.memory_space<hbm>> -> memref<1000001x32xf32, #tpu.memory_space<hbm>>
    tpu.wait_indirect_dma semaphore(%arg16 : memref<!tpu.dma_semaphore, #tpu.memory_space<semaphore_mem>>) src(%dma_wait3A_228 : memref<1000001x32xf32, #tpu.memory_space<hbm>>) dst(%dma_wait3A_222 : memref<128x32xf32, #tpu.memory_space<vmem>>)
    %dma_wait3A_229 = arith.constant 3 : i32
    %dma_wait3A_230 = arith.constant 384 : i32
    %dma_wait3A_231 = arith.constant 0 : i32
    %dma_wait3A_232 = tpu.memref_slice %arg13[%dma_wait3A_230, %dma_wait3A_231] : memref<512x32xf32, #tpu.memory_space<vmem>> -> memref<128x32xf32, #tpu.memory_space<vmem>>
    %dma_wait3A_233 = arith.constant 0 : i32
    %dma_wait3A_234 = tpu.memref_slice %arg10[%dma_wait3A_229, %dma_wait3A_233] : memref<4x128xi32, #tpu.memory_space<vmem>> -> memref<1x128xi32, #tpu.memory_space<vmem>>
    %dma_wait3A_235 = tpu.memref_squeeze %dma_wait3A_234 : memref<1x128xi32, #tpu.memory_space<vmem>> -> memref<128xi32, #tpu.memory_space<vmem>>
    %dma_wait3A_236 = arith.constant 0 : i32
    %dma_wait3A_237 = arith.constant 0 : i32
    %dma_wait3A_238 = tpu.memref_slice %arg2[%dma_wait3A_236, %dma_wait3A_237] : memref<1000001x32xf32, #tpu.memory_space<hbm>> -> memref<1000001x32xf32, #tpu.memory_space<hbm>>
    tpu.wait_indirect_dma semaphore(%arg16 : memref<!tpu.dma_semaphore, #tpu.memory_space<semaphore_mem>>) src(%dma_wait3A_238 : memref<1000001x32xf32, #tpu.memory_space<hbm>>) dst(%dma_wait3A_232 : memref<128x32xf32, #tpu.memory_space<vmem>>)
    %broadcast_in_dim3A = arith.constant 0.000000e+00 : f32
    %broadcast_in_dim3A_239 = vector.broadcast %broadcast_in_dim3A : f32 to vector<16xf32>
    %scan3A = arith.constant 0 : i32
    %scan3A_240 = arith.constant 512 : i32
    %scan3A_241 = arith.addi %scan3A, %scan3A_240 : i32
    %scan3A_242 = arith.constant 1 : i32
    %scan3A_243 = scf.for %scan3A_248 = %scan3A to %scan3A_241 step %scan3A_242 iter_args(%scan3A_249 = %broadcast_in_dim3A_239) -> (vector<16xf32>)  : i32 {
      %get3A = arith.index_cast %scan3A_248 : i32 to index
      %get3A_250 = arith.constant 0 : index
      %get3A_251 = tpu.vector_load %arg11[%get3A, %get3A_250] {strides = array<i32>} : memref<512x32xf32, #tpu.memory_space<vmem>>, vector<1x16xf32>,
      %get3A_252 = vector.shape_cast %get3A_251 : vector<1x16xf32> to vector<16xf32>
      %get3A_253 = arith.index_cast %scan3A_248 : i32 to index
      %get3A_254 = arith.constant 16 : index
      %get3A_255 = tpu.vector_load %arg11[%get3A_253, %get3A_254] {strides = array<i32>} : memref<512x32xf32, #tpu.memory_space<vmem>>, vector<1x16xf32>,
      %get3A_256 = vector.shape_cast %get3A_255 : vector<1x16xf32> to vector<16xf32>
      %get3A_257 = arith.index_cast %scan3A_248 : i32 to index
      %get3A_258 = arith.constant 0 : index
      %get3A_259 = tpu.vector_load %arg12[%get3A_257, %get3A_258] {strides = array<i32>} : memref<512x32xf32, #tpu.memory_space<vmem>>, vector<1x16xf32>,
      %get3A_260 = vector.shape_cast %get3A_259 : vector<1x16xf32> to vector<16xf32>
      %get3A_261 = arith.index_cast %scan3A_248 : i32 to index
      %get3A_262 = arith.constant 16 : index
      %get3A_263 = tpu.vector_load %arg12[%get3A_261, %get3A_262] {strides = array<i32>} : memref<512x32xf32, #tpu.memory_space<vmem>>, vector<1x16xf32>,
      %get3A_264 = vector.shape_cast %get3A_263 : vector<1x16xf32> to vector<16xf32>
      %get3A_265 = arith.index_cast %scan3A_248 : i32 to index
      %get3A_266 = arith.constant 0 : index
      %get3A_267 = tpu.vector_load %arg13[%get3A_265, %get3A_266] {strides = array<i32>} : memref<512x32xf32, #tpu.memory_space<vmem>>, vector<1x16xf32>,
      %get3A_268 = vector.shape_cast %get3A_267 : vector<1x16xf32> to vector<16xf32>
      %get3A_269 = arith.index_cast %scan3A_248 : i32 to index
      %get3A_270 = arith.constant 16 : index
      %get3A_271 = tpu.vector_load %arg13[%get3A_269, %get3A_270] {strides = array<i32>} : memref<512x32xf32, #tpu.memory_space<vmem>>, vector<1x16xf32>,
      %get3A_272 = vector.shape_cast %get3A_271 : vector<1x16xf32> to vector<16xf32>
      %sub3A = arith.subf %get3A_260, %get3A_268 : vector<16xf32>
      %mul3A_273 = arith.mulf %get3A_252, %sub3A : vector<16xf32>
      %sub3A_274 = arith.subf %get3A_264, %get3A_272 : vector<16xf32>
      %mul3A_275 = arith.mulf %get3A_256, %sub3A_274 : vector<16xf32>
      %add3A_276 = arith.addf %mul3A_273, %mul3A_275 : vector<16xf32>
      %swap3A_277 = arith.index_cast %scan3A_248 : i32 to index
      %swap3A_278 = arith.constant 0 : index
      %swap3A_279 = tpu.vector_load %arg14[%swap3A_277, %swap3A_278] {strides = array<i32>} : memref<512x16xf32, #tpu.memory_space<vmem>>, vector<1x16xf32>,
      %swap3A_280 = vector.shape_cast %swap3A_279 : vector<1x16xf32> to vector<16xf32>
      %swap3A_281 = vector.shape_cast %add3A_276 : vector<16xf32> to vector<1x16xf32>
      tpu.vector_store %arg14[%swap3A_277, %swap3A_278], %swap3A_281 {strides = array<i32>} : memref<512x16xf32, #tpu.memory_space<vmem>>, vector<1x16xf32>,
      %mul3A_282 = arith.mulf %get3A_252, %get3A_252 : vector<16xf32>
      %add3A_283 = arith.addf %scan3A_249, %mul3A_282 : vector<16xf32>
      %mul3A_284 = arith.mulf %get3A_256, %get3A_256 : vector<16xf32>
      %add3A_285 = arith.addf %add3A_283, %mul3A_284 : vector<16xf32>
      %mul3A_286 = arith.mulf %get3A_260, %get3A_260 : vector<16xf32>
      %add3A_287 = arith.addf %add3A_285, %mul3A_286 : vector<16xf32>
      %mul3A_288 = arith.mulf %get3A_264, %get3A_264 : vector<16xf32>
      %add3A_289 = arith.addf %add3A_287, %mul3A_288 : vector<16xf32>
      %mul3A_290 = arith.mulf %get3A_268, %get3A_268 : vector<16xf32>
      %add3A_291 = arith.addf %add3A_289, %mul3A_290 : vector<16xf32>
      %mul3A_292 = arith.mulf %get3A_272, %get3A_272 : vector<16xf32>
      %add3A_293 = arith.addf %add3A_291, %mul3A_292 : vector<16xf32>
      scf.yield %add3A_293 : vector<16xf32>
    }
    %scan3A_244 = arith.constant 512 : i32
    %swap3A = arith.constant 0 : index
    %swap3A_245 = tpu.vector_load %arg15[%swap3A] {strides = array<i32>} : memref<16xf32, #tpu.memory_space<vmem>>, vector<16xf32>,
    %swap3A_246 = vector.shape_cast %swap3A_245 : vector<16xf32> to vector<16xf32>
    %swap3A_247 = vector.shape_cast %scan3A_243 : vector<16xf32> to vector<16xf32>
    tpu.vector_store %arg15[%swap3A], %swap3A_247 {strides = array<i32>} : memref<16xf32, #tpu.memory_space<vmem>>, vector<16xf32>,
    "tpu.region"() ({
      %run_scoped3A = tpu.sem_alloc : memref<!tpu.dma_semaphore, #tpu.memory_space<semaphore_mem>>
      %dma_start3A_248 = arith.constant 0 : i32
      %dma_start3A_249 = arith.constant 0 : i32
      %dma_start3A_250 = tpu.memref_slice %arg6[%add3A, %dma_start3A_248, %dma_start3A_249] : memref<32x512x16xf32, #tpu.memory_space<hbm>> -> memref<1x512x16xf32, #tpu.memory_space<hbm>>
      %dma_start3A_251 = tpu.memref_squeeze %dma_start3A_250 : memref<1x512x16xf32, #tpu.memory_space<hbm>> -> memref<512x16xf32, #tpu.memory_space<hbm>>
      %dma_start3A_252 = arith.constant 0 : i32
      %dma_start3A_253 = arith.constant 0 : i32
      %dma_start3A_254 = tpu.memref_slice %arg6[%add3A, %dma_start3A_252, %dma_start3A_253] : memref<32x512x16xf32, #tpu.memory_space<hbm>> -> memref<1x512x16xf32, #tpu.memory_space<hbm>>
      %dma_start3A_255 = tpu.memref_squeeze %dma_start3A_254 : memref<1x512x16xf32, #tpu.memory_space<hbm>> -> memref<512x16xf32, #tpu.memory_space<hbm>>
      tpu.enqueue_dma source(%arg14 : memref<512x16xf32, #tpu.memory_space<vmem>>) target(%dma_start3A_255 : memref<512x16xf32, #tpu.memory_space<hbm>>) target_semaphore(%run_scoped3A : memref<!tpu.dma_semaphore, #tpu.memory_space<semaphore_mem>>)
      %dma_wait3A_256 = arith.constant 0 : i32
      %dma_wait3A_257 = arith.constant 0 : i32
      %dma_wait3A_258 = tpu.memref_slice %arg6[%add3A, %dma_wait3A_256, %dma_wait3A_257] : memref<32x512x16xf32, #tpu.memory_space<hbm>> -> memref<1x512x16xf32, #tpu.memory_space<hbm>>
      %dma_wait3A_259 = tpu.memref_squeeze %dma_wait3A_258 : memref<1x512x16xf32, #tpu.memory_space<hbm>> -> memref<512x16xf32, #tpu.memory_space<hbm>>
      %dma_wait3A_260 = arith.constant 0 : i32
      %dma_wait3A_261 = arith.constant 0 : i32
      %dma_wait3A_262 = tpu.memref_slice %arg6[%add3A, %dma_wait3A_260, %dma_wait3A_261] : memref<32x512x16xf32, #tpu.memory_space<hbm>> -> memref<1x512x16xf32, #tpu.memory_space<hbm>>
      %dma_wait3A_263 = tpu.memref_squeeze %dma_wait3A_262 : memref<1x512x16xf32, #tpu.memory_space<hbm>> -> memref<512x16xf32, #tpu.memory_space<hbm>>
      tpu.wait_dma2 semaphore(%run_scoped3A : memref<!tpu.dma_semaphore, #tpu.memory_space<semaphore_mem>>) src(%arg14 : memref<512x16xf32, #tpu.memory_space<vmem>>) dst(%dma_wait3A_263 : memref<512x16xf32, #tpu.memory_space<hbm>>)
      tpu.yield
    }) : () -> ()
    "tpu.region"() ({
      %run_scoped3A = tpu.sem_alloc : memref<!tpu.dma_semaphore, #tpu.memory_space<semaphore_mem>>
      %dma_start3A_248 = arith.constant 0 : i32
      %dma_start3A_249 = tpu.memref_slice %arg7[%add3A, %dma_start3A_248] : memref<32x16xf32, #tpu.memory_space<hbm>> -> memref<1x16xf32, #tpu.memory_space<hbm>>
      %dma_start3A_250 = tpu.memref_squeeze %dma_start3A_249 : memref<1x16xf32, #tpu.memory_space<hbm>> -> memref<16xf32, #tpu.memory_space<hbm>>
      %dma_start3A_251 = arith.constant 0 : i32
      %dma_start3A_252 = tpu.memref_slice %arg7[%add3A, %dma_start3A_251] : memref<32x16xf32, #tpu.memory_space<hbm>> -> memref<1x16xf32, #tpu.memory_space<hbm>>
      %dma_start3A_253 = tpu.memref_squeeze %dma_start3A_252 : memref<1x16xf32, #tpu.memory_space<hbm>> -> memref<16xf32, #tpu.memory_space<hbm>>
      tpu.enqueue_dma source(%arg15 : memref<16xf32, #tpu.memory_space<vmem>>) target(%dma_start3A_253 : memref<16xf32, #tpu.memory_space<hbm>>) target_semaphore(%run_scoped3A : memref<!tpu.dma_semaphore, #tpu.memory_space<semaphore_mem>>)
      %dma_wait3A_254 = arith.constant 0 : i32
      %dma_wait3A_255 = tpu.memref_slice %arg7[%add3A, %dma_wait3A_254] : memref<32x16xf32, #tpu.memory_space<hbm>> -> memref<1x16xf32, #tpu.memory_space<hbm>>
      %dma_wait3A_256 = tpu.memref_squeeze %dma_wait3A_255 : memref<1x16xf32, #tpu.memory_space<hbm>> -> memref<16xf32, #tpu.memory_space<hbm>>
      %dma_wait3A_257 = arith.constant 0 : i32
      %dma_wait3A_258 = tpu.memref_slice %arg7[%add3A, %dma_wait3A_257] : memref<32x16xf32, #tpu.memory_space<hbm>> -> memref<1x16xf32, #tpu.memory_space<hbm>>
      %dma_wait3A_259 = tpu.memref_squeeze %dma_wait3A_258 : memref<1x16xf32, #tpu.memory_space<hbm>> -> memref<16xf32, #tpu.memory_space<hbm>>
      tpu.wait_dma2 semaphore(%run_scoped3A : memref<!tpu.dma_semaphore, #tpu.memory_space<semaphore_mem>>) src(%arg15 : memref<16xf32, #tpu.memory_space<vmem>>) dst(%dma_wait3A_259 : memref<16xf32, #tpu.memory_space<hbm>>)
      tpu.yield
    }) : () -> ()
    return
  }
}

module attributes {stable_mosaic.version = 14 : i64} {
  func.func @_tc_epilogue_body(%arg0: memref<16384x16xf32, #tpu.memory_space<vmem>>, %arg1: memref<32x16xf32, #tpu.memory_space<vmem>>, %arg2: memref<1x1xf32, #tpu.memory_space<vmem>>, %arg3: memref<1x1xf32, #tpu.memory_space<vmem>>) attributes {dimension_semantics = [], scalar_prefetch = 0 : i64, scratch_operands = 0 : i64, tpu.core_type = #tpu.core_type<tc>} {
    %get3A = arith.constant 0 : index
    %get3A_0 = arith.constant 0 : index
    %get3A_1 = vector.load %arg0[%get3A, %get3A_0] : memref<16384x16xf32, #tpu.memory_space<vmem>>, vector<16384x16xf32>
    %reduce_sum3A = arith.constant dense<0.000000e+00> : vector<16384xf32>
    %reduce_sum3A_2 = vector.multi_reduction <add>, %get3A_1, %reduce_sum3A [1] : vector<16384x16xf32> to vector<16384xf32>
    %broadcast_in_dim3A = vector.shape_cast %reduce_sum3A_2 : vector<16384xf32> to vector<16384x1xf32>
    %neg3A = arith.constant 0.000000e+00 : f32
    %neg3A_3 = vector.broadcast %neg3A : f32 to vector<16384x1xf32>
    %neg3A_4 = arith.subf %neg3A_3, %broadcast_in_dim3A : vector<16384x1xf32>
    %exp3A = math.exp %neg3A_4 : vector<16384x1xf32>
    %log1p3A = math.log1p %exp3A : vector<16384x1xf32>
    %neg3A_5 = arith.constant 0.000000e+00 : f32
    %neg3A_6 = vector.broadcast %neg3A_5 : f32 to vector<16384x1xf32>
    %neg3A_7 = arith.subf %neg3A_6, %log1p3A : vector<16384x1xf32>
    %reduce_sum3A_8 = vector.shape_cast %neg3A_7 : vector<16384x1xf32> to vector<1x16384x1xf32>
    %reduce_sum3A_9 = arith.constant dense<0.000000e+00> : vector<1xf32>
    %reduce_sum3A_10 = vector.multi_reduction <add>, %reduce_sum3A_8, %reduce_sum3A_9 [1, 2] : vector<1x16384x1xf32> to vector<1xf32>
    %reduce_sum3A_11 = vector.shape_cast %reduce_sum3A_10 : vector<1xf32> to vector<1x1x1xf32>
    %reduce_sum3A_12 = vector.extract %reduce_sum3A_11[0, 0, 0] : f32 from vector<1x1x1xf32>
    %div3A = arith.constant 1.638400e+04 : f32
    %div3A_13 = arith.divf %reduce_sum3A_12, %div3A : f32
    %neg3A_14 = arith.constant 0.000000e+00 : f32
    %neg3A_15 = arith.subf %neg3A_14, %div3A_13 : f32
    %broadcast_in_dim3A_16 = vector.broadcast %neg3A_15 : f32 to vector<1x1xf32>
    %swap3A = arith.constant 0 : index
    %swap3A_17 = arith.constant 0 : index
    %swap3A_18 = vector.load %arg2[%swap3A, %swap3A_17] : memref<1x1xf32, #tpu.memory_space<vmem>>, vector<1x1xf32>
    tpu.vector_store %arg2[%swap3A, %swap3A_17], %broadcast_in_dim3A_16 {strides = array<i32>} : memref<1x1xf32, #tpu.memory_space<vmem>>, vector<1x1xf32>,
    %get3A_19 = arith.constant 0 : index
    %get3A_20 = arith.constant 0 : index
    %get3A_21 = vector.load %arg1[%get3A_19, %get3A_20] : memref<32x16xf32, #tpu.memory_space<vmem>>, vector<32x16xf32>
    %reduce_sum3A_22 = vector.shape_cast %get3A_21 : vector<32x16xf32> to vector<1x32x16xf32>
    %reduce_sum3A_23 = arith.constant dense<0.000000e+00> : vector<1xf32>
    %reduce_sum3A_24 = vector.multi_reduction <add>, %reduce_sum3A_22, %reduce_sum3A_23 [1, 2] : vector<1x32x16xf32> to vector<1xf32>
    %reduce_sum3A_25 = vector.shape_cast %reduce_sum3A_24 : vector<1xf32> to vector<1x1x1xf32>
    %reduce_sum3A_26 = vector.extract %reduce_sum3A_25[0, 0, 0] : f32 from vector<1x1x1xf32>
    %mul3A = arith.constant 5.000000e-06 : f32
    %mul3A_27 = arith.mulf %mul3A, %reduce_sum3A_26 : f32
    %broadcast_in_dim3A_28 = vector.broadcast %mul3A_27 : f32 to vector<1x1xf32>
    %swap3A_29 = arith.constant 0 : index
    %swap3A_30 = arith.constant 0 : index
    %swap3A_31 = vector.load %arg3[%swap3A_29, %swap3A_30] : memref<1x1xf32, #tpu.memory_space<vmem>>, vector<1x1xf32>
    tpu.vector_store %arg3[%swap3A_29, %swap3A_30], %broadcast_in_dim3A_28 {strides = array<i32>} : memref<1x1xf32, #tpu.memory_space<vmem>>, vector<1x1xf32>,
    return
  }
}

</mosaic_0001>

<sc_bundles>
// kernel: kernel.4.cloned.1.call-start
scs
__scs_entry_jumppad:
0x0: {  	(pc) =	sbr.rel $0x88, $3  }
0x1: {  	(tag) =	ssettag $0x0;
	lr =	simm.s32 $0x1  }
0x2: {  	[smem:$0x3F9D] =	sst lr;
	_ =	strace $0xD0000000  }
0x3: {  	_ = 	snop  }
0x4: {  	_ = 	snop  }
0x5: {  	_ = 	snop  }
0x6: {  	_ = 	snop  }
0x7: {  	_ = 	snop  }
__scs_overlays_trampoline_lowered:
0x8: {  	[smem:$0x3FAC] =	sst s0  }
0x9: {  	[smem:$0x3FAD] =	sst s1  }
0xa: {  	[smem:$0x3FAE] =	sst s2  }
0xb: {  	[smem:$0x3FAF] =	sst s3  }
0xc: {  	[smem:$0x3FB0] =	sst s4  }
0xd: {  	[smem:$0x3FB1] =	sst s5  }
0xe: {  	[smem:$0x3FB2] =	sst s6  }
0xf: {  	[smem:$0x3FB3] =	sst s7  }
0x10: {  	[smem:$0x3FB4] =	sst s8  }
0x11: {  	[smem:$0x3FB5] =	sst s9;
	s0 =	simm.s32 @!p0 $0x0  }
0x12: {  	s1 =	sld [smem:$0x3F9B];
	s0 =	simm.s32 @p0 $0x1  }
0x13: {  	[smem:$0x3FB6] =	sst s0;
	s0 =	simm.s32 @!p1 $0x0  }
0x14: {  	s2 =	sld [smem:$0x3F9A];
	s0 =	simm.s32 @p1 $0x1  }
0x15: {  	[smem:$0x3FB7] =	sst s0;
	s0 =	simm.s32 @!p2 $0x0  }
0x16: {  	s3 =	sld [smem:$0x3FDB];
	s0 =	simm.s32 @p2 $0x1  }
0x17: {  	s4 =	simm.s32 $0x1BF5;
	[smem:$0x3FB9] =	sst s0  }
0x18: {  	s0 =	sld [smem:$0x3F9C];
	_ =	swait.ge [sflag:s4], $0x0  }
0x19: {  	s7 =	sld [smem:$0x3F9D]  }
0x1a: {  	s8 =	sadd.s32 $0xFFFFE003, lr  }
0x1b: {  	s9 =	sadd.s32 $0xFFFFFEF7, lr;
	s5 =	simm.s32 $0xFFFFFFFF;
	p2 =	slt.u32 s8, $0xFFFFF086  }
0x1c: {  	p1 =	slt.u32 s9, $0xF7A;
	s5 =	simm.s32 @!p2 $0x0  }
0x1d: {  	s5 =	simm.s32 @p1 $0x1;
	p0 =	seq.s32 s7, s2  }
0x1e: {  	s7 =	smul.u32 @!p0 $0xF7A, s2;
	p2 =	seq.s32 @!p0 s5, $0x0  }
0x1f: {  	s9 =	smul.u32 $0xF7A, s1;
	s8 =	simm.s32 @!p0 $0x1BF5;
	p2 =	por !p2, p0  }
0x20: {  	[sflag:s8] =	ssyncset.s32 @!p0 $0xFFFFF086;
	s6 =	sadd.s32 @!p0 s3, s7;
	s7 =	simm.s32 @!p0 $0x108  }
0x21: {  	s3 =	sadd.s32 s3, s9;
	s6 =	sadd.s32 @!p0 $0x88, s6;
	s7 =	simm.s32 @p2 $0x1082  }
0x22: {  	[simem:s7], [sflag:s8] =	dma.local @!p0 [hbm:s6], $0xF7A  }
0x23: {  	s9 =	sor.u32 $0xD0000000, s2;
	s6 =	simm.s32 $0x108;
	_ =	swait.ge @!p0 [sflag:s8], $0x0  }
0x24: {  	s3 =	sadd.s32 $0x88, s3;
	s6 =	simm.s32 @!p1 $0x1082;
	[sflag:s4] =	ssyncset.s32 $0xFFFFF086  }
0x25: {  	[simem:s6], [sflag:s4] =	dma.local [hbm:s3], $0xF7A  }
0x26: {  	[smem:$0x3F9D] =	sst s1;
	(tag) =	ssettag s2;
	_ =	strace s9  }
0x27: {  	s1 =	sld [smem:$0x3FAD]  }
0x28: {  	s2 =	sld [smem:$0x3FAE]  }
0x29: {  	s4 =	sld [smem:$0x3FB0]  }
0x2a: {  	p0 =	seq.s32 s5, $0x0;
	s5 =	sld [smem:$0x3FB1]  }
0x2b: {  	s6 =	sld [smem:$0x3FB2]  }
0x2c: {  	s7 =	sld [smem:$0x3FB3]  }
0x2d: {  	s3 =	simm.s32 $0x108;
	s8 =	sld [smem:$0x3FB4]  }
0x2e: {  	s3 =	simm.s32 @!p0 $0x1082;
	s9 =	sld [smem:$0x3FB5]  }
0x2f: {  	lr =	sadd.s32 s0, s3;
	s0 =	sld [smem:$0x3FAC]  }
0x30: {  	s3 =	sld [smem:$0x3FAF]  }
0x31: {  	[smem:$0x3FB8] =	sst s10  }
0x32: {  	s10 =	sld [smem:$0x3FB6];
	_ =	sdelay $0x3  }
0x33: {  	p0 =	seq.s32 s10, $0x1;
	s10 =	sld [smem:$0x3FB8];
	_ =	sdelay $0x3  }
0x34: {  	[smem:$0x3FB8] =	sst s10  }
0x35: {  	s10 =	sld [smem:$0x3FB7];
	_ =	sdelay $0x3  }
0x36: {  	p1 =	seq.s32 s10, $0x1;
	s10 =	sld [smem:$0x3FB8];
	_ =	sdelay $0x3  }
0x37: {  	[smem:$0x3FB8] =	sst s10  }
0x38: {  	s10 =	sld [smem:$0x3FB9]  }
0x39: {  	_ = 	snop;
	(pc) =	sbr.ind lr, $3  }
0x3a: {  	_ = 	snop  }
0x3b: {  	_ = 	snop  }
0x3c: {  	p2 =	seq.s32 s10, $0x1;
	s10 =	sld [smem:$0x3FB8]  }
0x3d: {  	_ =	shalt  }
0x3e: {  	_ =	shalt  }
0x3f: {  	_ =	shalt  }
0x40: {  	_ =	shalt  }
0x41: {  	_ =	shalt  }
0x42: {  	_ =	shalt  }
0x43: {  	_ =	shalt  }
0x44: {  	_ =	shalt  }
0x45: {  	_ =	shalt  }
0x46: {  	_ =	shalt  }
0x47: {  	_ =	shalt  }
0x48: {  	_ =	shalt  }
0x49: {  	_ =	shalt  }
0x4a: {  	_ =	shalt  }
0x4b: {  	_ =	shalt  }
0x4c: {  	_ =	shalt  }
0x4d: {  	_ =	shalt  }
0x4e: {  	_ =	shalt  }
0x4f: {  	_ =	shalt  }
0x50: {  	_ =	shalt  }
0x51: {  	_ =	shalt  }
0x52: {  	_ =	shalt  }
0x53: {  	_ =	shalt  }
0x54: {  	_ =	shalt  }
0x55: {  	_ =	shalt  }
0x56: {  	_ =	shalt  }
0x57: {  	_ =	shalt  }
0x58: {  	_ =	shalt  }
0x59: {  	_ =	shalt  }
0x5a: {  	_ =	shalt  }
0x5b: {  	_ =	shalt  }
0x5c: {  	_ =	shalt  }
0x5d: {  	_ =	shalt  }
0x5e: {  	_ =	shalt  }
0x5f: {  	_ =	shalt  }
0x60: {  	_ =	shalt  }
0x61: {  	_ =	shalt  }
0x62: {  	_ =	shalt  }
0x63: {  	_ =	shalt  }
0x64: {  	_ =	shalt  }
0x65: {  	_ =	shalt  }
0x66: {  	_ =	shalt  }
0x67: {  	_ =	shalt  }
0x68: {  	_ =	shalt  }
0x69: {  	_ =	shalt  }
0x6a: {  	_ =	shalt  }
0x6b: {  	_ =	shalt  }
0x6c: {  	_ =	shalt  }
0x6d: {  	_ =	shalt  }
0x6e: {  	_ =	shalt  }
0x6f: {  	_ =	shalt  }
0x70: {  	_ =	shalt  }
0x71: {  	_ =	shalt  }
0x72: {  	_ =	shalt  }
0x73: {  	_ =	shalt  }
0x74: {  	_ =	shalt  }
0x75: {  	_ =	shalt  }
0x76: {  	_ =	shalt  }
0x77: {  	_ =	shalt  }
0x78: {  	_ =	shalt  }
0x79: {  	_ =	shalt  }
0x7a: {  	_ =	shalt  }
0x7b: {  	_ =	shalt  }
0x7c: {  	_ =	shalt  }
0x7d: {  	_ =	shalt  }
0x7e: {  	_ =	shalt  }
0x7f: {  	_ =	shalt  }
0x80: {  	_ =	shalt  }
0x81: {  	_ =	shalt  }
0x82: {  	_ =	shalt  }
0x83: {  	_ =	shalt  }
0x84: {  	_ =	shalt  }
0x85: {  	_ =	shalt  }
0x86: {  	_ =	shalt  }
0x87: {  	_ =	shalt  }
.Lfunc_end0:
.L_simem_size_0:
called_computation_lowered:
.L_overlay_start_0:
0x88: {  	s2 =	sld [smem:$0x3FD9]  }
0x89: {  	s3 =	sld [smem:$0x3FFE];
	_ =	sdelay $0x1  }
0x8a: {  	s1 =	srdreg.scid  }
0x8b: {  	s0 =	sand.u32 $0x1, s1  }
0x8c: {  	s17 =	sshll.u32 s0, $0xA;
	s2 =	sadd.s32 s3, s2  }
0x8d: {  	s2 =	sadd.s32 s2, s17  }
0x8e: {  	[smem:$0x3FC4] =	sst s2  }
0x8f: {  	_ = 	snop  }
0x90: {  	s2 =	sld [smem:$0x3FC9]  }
0x91: {  	s18 =	sld [smem:$0x3FC8]  }
0x92: {  	s4 =	sld [smem:$0x3FC7];
	(tm) =	ssettm $0x1  }
0x93: {  	s5 =	sld [smem:$0x3FFB];
	_ =	sdelay $0x3  }
0x94: {  	_ =	strace s5  }
0x95: {  	s5 =	sld [smem:$0x3FFC];
	_ =	sdelay $0x3  }
0x96: {  	_ =	strace s5  }
0x97: {  	s5 =	sld [smem:$0x3FFD];
	_ =	sdelay $0x3  }
0x98: {  	_ =	strace s5  }
0x99: {  	_ =	strace $0x8FFFFFFF  }
0x9a: {  	s19 =	sld [smem:$0x3FDB];
	_ =	sdelay $0x1  }
0x9b: {  	s6 =	simm.s32 $_scs_section_size  }
0x9c: {  	s7 =	simm.s32 $_size__tile_overlayer_lowered;
	s8 =	simm.s32 $_tile_overlayer_lowered  }
0x9d: {  	s22 =	simm.s32 $0x1BFF;
	s21 =	sshll.u32 s8, $0x1;
	s5 =	sadd.s32 s6, s19  }
0x9e: {  	s9 =	simm.s32 $0x0;
	s20 =	sshll.u32 s7, $0x1;
	s7 =	sadd.s32 s21, s5  }
0x9f: {  	[timem:s9], [sflag:s22] =	dma.local [hbm:s7], s20  }
0xa0: {  	_ =	swait.ge [sflag:s22], s20  }
0xa1: {  	s6 =	ssub.s32 $0x0, s20;
	[sflag:s22] =	ssyncset.done $0x0  }
0xa2: {  	[sflag:s22] =	ssyncadd.s32 s6;
	_ =	sdelay $0x1  }
0xa3: {  	s23 =	simm.s32 $0x1B8B  }
0xa4: {  	_ =	swait.ge [sflag:s23], $0x1  }
0xa5: {  	[sflag:s23] =	ssyncset.done $0x0  }
0xa6: {  	s25 =	simm.s32 $0x1B8E;
	s24 =	sld [smem:$0x3FFE];
	[sflag:s23] =	ssyncadd.s32 $0xFFFFFFFF  }
0xa7: {  	s26 =	simm.s32 $execute0_lowered;
	[smem:$0x3FD2] =	sst s25  }
0xa8: {  	s7 =	sshll.u32 s26, $0x1;
	_ =	strace $0x80000046;
	[dreg:$0x1] =	wrdreg $0xFFFFFFFF  }
0xa9: {  	s28 =	simm.s32 $_size_execute0_lowered;
	s5 =	sadd.s32 s5, s7;
	[dreg:$0x0] =	wrdreg $0x0  }
0xaa: {  	s7 =	sshll.u32 s28, $0x1;
	[dreg:$0x2] =	wrdreg s5  }
0xab: {  	[dreg:$0x3] =	wrdreg s7  }
0xac: {  	[dreg:$0x4] =	wrdreg $0xC0  }
0xad: {  	_ =	task [dreg:s9], $0x5FFFF  }
0xae: {  	[dreg:$0x1] =	wrdreg $0xFFFFFFFF  }
0xaf: {  	[dreg:$0x0] =	wrdreg $0x60  }
0xb0: {  	[dreg:$0x2] =	wrdreg s24  }
0xb1: {  	[dreg:$0x3] =	wrdreg s2  }
0xb2: {  	[dreg:$0x4] =	wrdreg s18  }
0xb3: {  	[dreg:$0x5] =	wrdreg s4  }
0xb4: {  	[dreg:$0x6] =	wrdreg $0x9  }
0xb5: {  	_ =	task.clear_ibuf [dreg:s9], $0x7FFFF;
	_ =	strace $0x90000046  }
0xb6: {  	s29 =	simm.s32 $0x9;
	_ =	strace $0x80000048  }
0xb7: {  	_ =	swait.ge [sflag:s29], $0x1  }
0xb8: {  	[sflag:s29] =	ssyncadd.s32 $0xFFFFFFFF  }
0xb9: {  	_ =	strace $0x90000048  }
0xba: {  	_ =	sfence  }
0xbb: {  	s30 =	sld [smem:$0x0];
	_ =	sdelay $0x2  }
0xbc: {  	s31 =	sshll.u32 s1, $0xD;
	s1 =	sshrl.u32 s1, $0x2  }
0xbd: {  	s3 =	sand.u32 $0x4000, s31;
	s1 =	sadd.s32 s1, s30  }
0xbe: {  	s0 =	sor.u32 s3, s0;
	s1 =	sshll.u32 s1, $0x11  }
0xbf: {  	s0 =	sor.u32 s1, s0  }
0xc0: {  	s0 =	sadd.s32 $0x8F2B, s0  }
0xc1: {  	[sflag:s0] =	ssyncadd.remote.s32 $0x1  }
0xc2: {  	_ =	sfence.sel $0xFFFF  }
0xc3: {  	[dreg:$0x0] =	wrdreg $0xFFFFFFFF;
	(pc) =	sbr.abs _section_cstart, $3  }
0xc4: {  	[dreg:$0x1] =	wrdreg $0xFFFFFFFF  }
0xc5: {  	_ =	task.clear_ibuf [dreg:s9], $0x2FFFF;
	_ =	strace $0x9FFFFFFF  }
0xc6: {  	(tm) =	ssettm $0x7FFFFFFF  }
0xc7: {  	_ =	shalt  }
tec
execute0_lowered:
.L_overlay_start_1:
0x0: {  	(tag) =	ssettag $0x1  }
0x1: {  	s0 =	rddreg [dreg:$0x0]  }
0x2: {  	s1 =	rddreg [dreg:$0x1]  }
0x3: {  	s5 =	rddreg [dreg:$0x2]  }
0x4: {  	s6 =	rddreg [dreg:$0x3]  }
0x5: {  	s3 =	srdreg.scid;
	s7 =	stileid.u32;
	s2 =	simm.s32 $0x0  }
0x6: {  	s11 =	simm.s32 $0x200;
	s12 =	simm.s32 $0x400;
	s13 =	simm.s32 $0x80  }
0x7: {  	s23 =	simm.s32 $0x300;
	s24 =	simm.s32 $0x6600;
	s28 =	simm.s32 $0x8600  }
0x8: {  	s29 =	simm.s32 $0x480;
	s30 =	simm.s32 $0x9600;
	s31 =	simm.s32 $0x500  }
0x9: {  	s14 =	simm.s32 $0xB600;
	s15 =	simm.s32 $0x1;
	s16 =	simm.s32 $0xC600  }
0xa: {  	s17 =	simm.s32 $0xE600;
	s18 =	simm.s32 $0x0;
	s4 =	sand.u32 $0x1, s3  }
0xb: {  	s25 =	sshll.u32 s7, $0x1;
	[smem:$0x7FF] =	sst s2;
	s3 =	sadd.s32 $0xF43000, s0  }
0xc: {  	s7 =	sor.u32 s4, s25;
	_ =	strace $0x80000047;
	s4 =	ssub.s32 $0x2, s4  }
0xd: {  	s25 =	simm.s32 $0x380;
	s8 =	sshll.u32 s7, $0xA;
	s9 =	sshll.u32 s7, $0x1  }
0xe: {  	s10 =	sshrl.u32 s4, $0x1;
	s7 =	sshll.u32 s7, $0x6;
	s8 =	sadd.s32 s8, s0  }
0xf: {  	s0 =	sadd.s32 s9, s0;
	s26 =	ssub.s32 s4, s10;
	s4 =	sadd.s32 s1, s7  }
0x10: {  	s5 =	sadd.s32 s5, s7;
	s6 =	sadd.s32 s6, s7;
	s10 =	simm.s32 $0x2  }
0x11: {  	s1 =	simm.s32 $0x580;
	s7 =	sadd.s32 $0xC00, s8;
	s8 =	sadd.s32 $0xA00, s0  }
0x12: {  	s9 =	smax.u32 s26, $0x1;
	s26 =	simm.s32 $0x7600;
	s0 =	simm.s32 $0xA600  }
.LBB2_1:
0x13: {  	[tilespmem:s2], [sflag:$0x2] =	stream.linear.gather [hbm4b:s4+s2], $0x200, $0x38;
	[tilespmem:$0xE610] =	vst v63  }
0x14: {  	_ =	swait.ge [sflag:s10], $0x200  }
0x15: {  	[sflag:s10] =	ssyncset.done $0x0  }
0x16: {  	[sflag:s10] =	ssyncadd.s32 $0xFFFFFE00  }
0x17: {  	[tilespmem:s11], [sflag:$0x2] =	stream.linear.gather [hbm4b:s5+s2], $0x200, $0x38;
	[tilespmem:$0xE610] =	vst v63  }
0x18: {  	_ =	swait.ge [sflag:s10], $0x200  }
0x19: {  	[sflag:s10] =	ssyncset.done $0x0  }
0x1a: {  	[sflag:s10] =	ssyncadd.s32 $0xFFFFFE00  }
0x1b: {  	[tilespmem:s12], [sflag:$0x2] =	stream.linear.gather [hbm4b:s6+s2], $0x200, $0x38;
	[tilespmem:$0xE610] =	vst v63  }
0x1c: {  	_ =	swait.ge [sflag:s10], $0x200  }
0x1d: {  	[sflag:s10] =	ssyncset.done $0x0  }
0x1e: {  	s19 =	simm.s32 $0x600;
	[sflag:s10] =	ssyncadd.s32 $0xFFFFFE00  }
0x1f: {  	[tilespmem:s19], [sflag:$0x1] =	stream.indirect.gather [hbm4b:s3+s13], $0x20, s2, s13, $0xb8;
	[tilespmem:$0xE610] =	vst v63  }
0x20: {  	s21 =	simm.s32 $0x1600  }
0x21: {  	[tilespmem:s21], [sflag:$0x1] =	stream.indirect.gather [hbm4b:s3+s13], $0x20, s13, s13, $0xb8;
	[tilespmem:$0xE610] =	vst v63  }
0x22: {  	s22 =	simm.s32 $0x100;
	s20 =	simm.s32 $0x2600  }
0x23: {  	[tilespmem:s20], [sflag:$0x1] =	stream.indirect.gather [hbm4b:s3+s13], $0x20, s22, s13, $0xb8;
	[tilespmem:$0xE610] =	vst v63  }
0x24: {  	s21 =	simm.s32 $0x3600;
	s20 =	simm.s32 $0x180  }
0x25: {  	[tilespmem:s21], [sflag:$0x1] =	stream.indirect.gather [hbm4b:s3+s13], $0x20, s20, s13, $0xb8;
	[tilespmem:$0xE610] =	vst v63  }
0x26: {  	s22 =	simm.s32 $0x4600  }
0x27: {  	[tilespmem:s22], [sflag:$0x1] =	stream.indirect.gather [hbm4b:s3+s13], $0x20, s11, s13, $0xb8;
	[tilespmem:$0xE610] =	vst v63  }
0x28: {  	s20 =	simm.s32 $0x280;
	s21 =	simm.s32 $0x5600  }
0x29: {  	[tilespmem:s21], [sflag:$0x1] =	stream.indirect.gather [hbm4b:s3+s13], $0x20, s20, s13, $0xb8;
	[tilespmem:$0xE610] =	vst v63  }
0x2a: {  	_ = 	snop  }
0x2b: {  	[tilespmem:s24], [sflag:$0x1] =	stream.indirect.gather [hbm4b:s3+s13], $0x20, s23, s13, $0xb8;
	[tilespmem:$0xE610] =	vst v63  }
0x2c: {  	_ = 	snop  }
0x2d: {  	[tilespmem:s26], [sflag:$0x1] =	stream.indirect.gather [hbm4b:s3+s13], $0x20, s25, s13, $0xb8;
	[tilespmem:$0xE610] =	vst v63  }
0x2e: {  	_ = 	snop  }
0x2f: {  	[tilespmem:s28], [sflag:$0x1] =	stream.indirect.gather [hbm4b:s3+s13], $0x20, s12, s13, $0xb8;
	[tilespmem:$0xE610] =	vst v63  }
0x30: {  	_ = 	snop  }
0x31: {  	[tilespmem:s30], [sflag:$0x1] =	stream.indirect.gather [hbm4b:s3+s13], $0x20, s29, s13, $0xb8;
	[tilespmem:$0xE610] =	vst v63  }
0x32: {  	_ = 	snop  }
0x33: {  	[tilespmem:s0], [sflag:$0x1] =	stream.indirect.gather [hbm4b:s3+s13], $0x20, s31, s13, $0xb8;
	[tilespmem:$0xE610] =	vst v63  }
0x34: {  	_ = 	snop  }
0x35: {  	[tilespmem:s14], [sflag:$0x1] =	stream.indirect.gather [hbm4b:s3+s13], $0x20, s1, s13, $0xb8;
	[tilespmem:$0xE610] =	vst v63  }
0x36: {  	_ =	swait.ge [sflag:s15], $0x1000  }
0x37: {  	[sflag:s15] =	ssyncset.done $0x0  }
0x38: {  	[sflag:s15] =	ssyncadd.s32 $0xFFFFF000  }
0x39: {  	_ =	swait.ge [sflag:s15], $0x1000  }
0x3a: {  	[sflag:s15] =	ssyncset.done $0x0  }
0x3b: {  	[sflag:s15] =	ssyncadd.s32 $0xFFFFF000  }
0x3c: {  	_ =	swait.ge [sflag:s15], $0x1000  }
0x3d: {  	[sflag:s15] =	ssyncset.done $0x0  }
0x3e: {  	[sflag:s15] =	ssyncadd.s32 $0xFFFFF000  }
0x3f: {  	_ =	swait.ge [sflag:s15], $0x1000  }
0x40: {  	[sflag:s15] =	ssyncset.done $0x0  }
0x41: {  	[sflag:s15] =	ssyncadd.s32 $0xFFFFF000  }
0x42: {  	_ =	swait.ge [sflag:s15], $0x1000  }
0x43: {  	[sflag:s15] =	ssyncset.done $0x0  }
0x44: {  	[sflag:s15] =	ssyncadd.s32 $0xFFFFF000  }
0x45: {  	_ =	swait.ge [sflag:s15], $0x1000  }
0x46: {  	[sflag:s15] =	ssyncset.done $0x0  }
0x47: {  	[sflag:s15] =	ssyncadd.s32 $0xFFFFF000  }
0x48: {  	_ =	swait.ge [sflag:s15], $0x1000  }
0x49: {  	[sflag:s15] =	ssyncset.done $0x0  }
0x4a: {  	[sflag:s15] =	ssyncadd.s32 $0xFFFFF000  }
0x4b: {  	_ =	swait.ge [sflag:s15], $0x1000  }
0x4c: {  	[sflag:s15] =	ssyncset.done $0x0  }
0x4d: {  	[sflag:s15] =	ssyncadd.s32 $0xFFFFF000  }
0x4e: {  	_ =	swait.ge [sflag:s15], $0x1000  }
0x4f: {  	[sflag:s15] =	ssyncset.done $0x0  }
0x50: {  	[sflag:s15] =	ssyncadd.s32 $0xFFFFF000  }
0x51: {  	_ =	swait.ge [sflag:s15], $0x1000  }
0x52: {  	[sflag:s15] =	ssyncset.done $0x0  }
0x53: {  	[sflag:s15] =	ssyncadd.s32 $0xFFFFF000  }
0x54: {  	_ =	swait.ge [sflag:s15], $0x1000  }
0x55: {  	[sflag:s15] =	ssyncset.done $0x0  }
0x56: {  	[sflag:s15] =	ssyncadd.s32 $0xFFFFF000  }
0x57: {  	_ =	swait.ge [sflag:s15], $0x1000  }
0x58: {  	[sflag:s15] =	ssyncset.done $0x0  }
0x59: {  	s22 =	simm.s32 $0x0;
	[sflag:s15] =	ssyncadd.s32 $0xFFFFF000  }
0x5a: {  	v3 =	vld [tilespmem:s22+$0x8600]  }
0x5b: {  	v1 =	vld [tilespmem:s22+$0x4610]  }
0x5c: {  	v2 =	vld [tilespmem:s22+$0x4600]  }
0x5d: {  	v0 =	vld [tilespmem:s22+$0x8610]  }
0x5e: {  	v4 =	vld [tilespmem:s22+$0x600]  }
0x5f: {  	v5 =	vld [tilespmem:s22+$0x610];
	_ =	sdelay $0x1  }
0x60: {  	v6 =	vsub.f32 v2, v3  }
0x61: {  	v7 =	vsub.f32 v1, v0  }
0x62: {  	v6 =	vmul.f32 v6, v4  }
0x63: {  	v4 =	vmul.f32 v4, v4;
	v7 =	vmul.f32 v7, v5  }
0x64: {  	v8 =	vimm.f32 $0.0e+00  }
0x65: {  	v5 =	vmul.f32 v5, v5;
	v4 =	vadd.f32 v4, v8;
	v6 =	vadd.f32 v7, v6;
	_ =	sdelay $0x1  }
0x66: {  	s21 =	simm.s32 $0x20;
	v7 =	vmul.f32 v2, v2;
	v5 =	vadd.f32 v5, v4;
	[tilespmem:s16+$0x0] =	vst v6  }
0x67: {  	v2 =	vld [tilespmem:s21+$0x8600]  }
0x68: {  	s19 =	simm.s32 $0xC600;
	s20 =	simm.s32 $0x100;
	v3 =	vmul.f32 v3, v3;
	v4 =	vmul.f32 v1, v1;
	v1 =	vld [tilespmem:s21+$0x4610];
	v5 =	vadd.f32 v7, v5  }
.LBB2_2:
0x69: {  	p0 =	sne.s32 s20, $0xFF80  }
0x6a: {  	v6 =	vld [tilespmem:s21+$0x4600];
	v4 =	vadd.f32 v4, v5;
	s19 =	sadd.s32 $0x10, s19;
	s22 =	smov.u32 s20;
	s20 =	sadd.s32 $0x80, s20  }
0x6b: {  	v5 =	vmul.f32 v0, v0;
	v0 =	vld [tilespmem:s21+$0x8610]  }
0x6c: {  	v7 =	vld [tilespmem:s21+$0x600];
	v3 =	vadd.f32 v3, v4  }
0x6d: {  	v4 =	vld [tilespmem:s21+$0x610];
	v8 =	vmov v2  }
0x6e: {  	v2 =	vadd.f32 v5, v3  }
0x6f: {  	v3 =	vsub.f32 v6, v8  }
0x70: {  	v5 =	vsub.f32 v1, v0  }
0x71: {  	v3 =	vmul.f32 v3, v7;
	v7 =	vmul.f32 v7, v7  }
0x72: {  	v5 =	vmul.f32 v5, v4;
	v4 =	vmul.f32 v4, v4  }
0x73: {  	v2 =	vadd.f32 v7, v2  }
.Ltmp0:
0x74: {  	v3 =	vadd.f32 v5, v3;
	v5 =	vmul.f32 v6, v6;
	(pc) =	sbr.rel @p0 .LBB2_2-.Ltmp0, $4  }
0x75: {  	v6 =	vadd.f32 v4, v2  }
0x76: {  	s21 =	sshra.s32 s22, $0x2;
	v4 =	vmul.f32 v1, v1;
	[tilespmem:s19+$0x0] =	vst v3  }
0x77: {  	v2 =	vld [tilespmem:s21+$0x8600];
	v5 =	vadd.f32 v5, v6  }
0x78: {  	v3 =	vmul.f32 v8, v8;
	v1 =	vld [tilespmem:s21+$0x4610]  }
0x79: {  	v6 =	vld [tilespmem:s21+$0x600]  }
0x7a: {  	v4 =	vadd.f32 v4, v5  }
0x7b: {  	v55 =	vld [tilespmem:s21+$0x610]  }
0x7c: {  	v0 =	vmul.f32 v0, v0;
	v3 =	vadd.f32 v3, v4  }
0x7d: {  	v56 =	vld [tilespmem:s21+$0x4600]  }
0x7e: {  	v0 =	vadd.f32 v0, v3;
	v57 =	vmul.f32 v6, v6;
	_ =	sdelay $0x1  }
0x7f: {  	v7 =	vld [tilespmem:s21+$0x8610];
	v8 =	vmul.f32 v55, v55;
	v0 =	vadd.f32 v57, v0;
	_ =	sdelay $0x1  }
0x80: {  	v58 =	vmul.f32 v56, v56;
	v0 =	vadd.f32 v8, v0;
	_ =	sdelay $0x1  }
0x81: {  	v59 =	vmul.f32 v1, v1;
	v0 =	vadd.f32 v58, v0  }
0x82: {  	v60 =	vsub.f32 v56, v2;
	v61 =	vsub.f32 v1, v7  }
0x83: {  	v62 =	vmul.f32 v2, v2;
	v0 =	vadd.f32 v59, v0  }
0x84: {  	v3 =	vmul.f32 v60, v6;
	v1 =	vmul.f32 v61, v55  }
0x85: {  	v63 =	vmul.f32 v7, v7;
	v0 =	vadd.f32 v62, v0  }
0x86: {  	v1 =	vadd.f32 v1, v3  }
0x87: {  	s19 =	sadd.s32 $0x10, s19;
	v0 =	vadd.f32 v63, v0  }
0x88: {  	[tilespmem:s19+$0x0] =	vst v1  }
0x89: {  	[tilespmem:$0xE600] =	vst v0  }
0x8a: {  	[hbm4b:s7+s2] =	stream.linear.scatter [tilespmem:s16], [sflag:$0x2], $0x2000, $0x38;
	[tilespmem:$0xE610] =	vst v63  }
0x8b: {  	s18 =	sadd.s32 $0x1, s18;
	_ =	swait.ge [sflag:s10], $0x2000  }
0x8c: {  	p0 =	sne.s32 s18, s9;
	[sflag:s10] =	ssyncset.done $0x0  }
.Ltmp1:
0x8d: {  	[sflag:s10] =	ssyncadd.s32 $0xFFFFE000;
	(pc) =	sbr.rel @p0 .LBB2_1-.Ltmp1, $4  }
0x8e: {  	[hbm4b:s8+s2] =	stream.linear.scatter [tilespmem:s17], [sflag:$0x2], $0x10, $0x38;
	[tilespmem:$0xE610] =	vst v63  }
0x8f: {  	_ =	swait.ge [sflag:s10], $0x10  }
0x90: {  	[sflag:s10] =	ssyncset.done $0x0  }
0x91: {  	[sflag:s10] =	ssyncadd.s32 $0xFFFFFFF0  }
0x92: {  	_ =	sfence.sel $0x180000  }
0x93: {  	[bflag:$0x0] =	sbarrier.arrive $0xFFFF  }
0x94: {  	_ =	strace $0x90000047  }
0x95: {  	s0 =	stileid.u32;
	[bflag:$0x2] =	sbarrier.arrive $0xFFFF  }
0x96: {  	p0 =	sne.s32 s0, $0x0;
	s0 =	rddreg [dreg:$0x4]  }
0x97: {  	s0 =	sadd.s32 @!p0 $0x100000, s0  }
0x98: {  	[sflag:s0] =	ssyncadd.tile.s32 @!p0 $0x1;
	_ =	shalt  }
.Lfunc_end2:
_tile_overlayer_lowered:
.L_overlay_start_2:
0x99: {  	(tag) =	ssettag $0x2  }
0x9a: {  	s0 =	rddreg [dreg:$0x0];
	s2 =	stileid.u32  }
0x9b: {  	s1 =	rddreg [dreg:$0x1];
	p0 =	sne.s32 s2, $0x0  }
0x9c: {  	s3 =	rddreg [dreg:$0x2];
	[bflag:$0x3] =	sbarrier.arrive $0xFFFF;
	s2 =	simm.s32 @!p0 $0x1C02  }
0x9d: {  	[timem:s3], [sflag:s2] =	dma.local @!p0 [hbm:s0], s1  }
0x9e: {  	s0 =	simm.s32 @!p0 $0x2  }
0x9f: {  	_ =	swait.ge @!p0 [sflag:s0], s1  }
0xa0: {  	s1 =	ssub.s32 @!p0 $0x0, s1;
	[sflag:s0] =	ssyncset.done @!p0 $0x0  }
0xa1: {  	[sflag:s0] =	ssyncadd.s32 @!p0 s1  }
0xa2: {  	[bflag:$0x3] =	sbarrier.arrive $0xFFFF  }
0xa3: {  	_ =	shalt  }

</sc_bundles>
